<compile_context>
chip_gen: v7x
topology: tpu7x:2x2x1
jax: 0.10.2.dev20260603
libtpu: 0.0.44.dev20260713+nightly
codegen_flags: <defaults>
</compile_context>

<pallas_src>
import functools

import jax
import jax.numpy as jnp
import numpy as np
from jax import lax
from jax.experimental import pallas as pl
from jax.experimental.pallas import tpu as pltpu
from jax.experimental.pallas import tpu_sc as plsc

_FACTOR = 180.0 / np.pi
_H0 = np.float32(-180.0 / _FACTOR)
_H1 = np.float32(180.0 / _FACTOR)
_HRES = np.float32(0.2 / _FACTOR)
_V0 = np.float32(-25.0 / _FACTOR)
_V1 = np.float32(3.0 / _FACTOR)
_VRES = np.float32(0.4375 / _FACTOR)
_W = 1800
_H = 64
_HW = _W * _H

_N = 800000
_NPER = 200000
_NPAD = 802816
_ROWS = _NPAD // 128
_GRID = _NPAD // 16384

_NSENT = 2048

_CPS = 14400
_WROWS = 225
_HALF_A = 113
_HALF_B = 112
_CHUNK = 4000


def _tc_body(x_ref, y_ref, z_ref, r_ref, t_ref, p_ref, c_ref):
  x = x_ref[...]
  y = y_ref[...]
  z = z_ref[...]
  r = jnp.sqrt((x * x + y * y) + z * z)
  th = -jnp.arctan2(y, x)
  t = z / jnp.maximum(r, np.float32(1e-5))
  asin_t = np.float32(2.0) * jnp.arctan2(
      t, np.float32(1.0) + jnp.sqrt(np.float32(1.0) - t * t))
  ph = -asin_t
  u = ((th - _H0) / _HRES).astype(jnp.int32)
  v = ((ph - _V0) / _VRES).astype(jnp.int32)
  m = ((th >= _H0) & (th < _H1) & (ph >= _V0) & (ph < _V1)
       & (u < _W) & (v < _H))
  cell = jnp.where(m, v * _W + u, jnp.int32(1 << 30))
  r_ref[...] = r
  t_ref[...] = th
  p_ref[...] = ph
  c_ref[...] = cell


def _tc_transform(xs, ys, zs):
  bspec = pl.BlockSpec((128, 128), lambda i: (i, 0))
  f32 = jnp.float32
  return pl.pallas_call(
      _tc_body,
      grid=(_GRID,),
      in_specs=[bspec, bspec, bspec],
      out_specs=[bspec, bspec, bspec, bspec],
      out_shape=[
          jax.ShapeDtypeStruct((_ROWS, 128), f32),
          jax.ShapeDtypeStruct((_ROWS, 128), f32),
          jax.ShapeDtypeStruct((_ROWS, 128), f32),
          jax.ShapeDtypeStruct((_ROWS, 128), jnp.int32),
      ],
  )(xs, ys, zs)


def _sc_body(cell_hbm, xs, ys, zs, rr, th, ph, f1, f2, out_hbm,
             winner, cellbuf, gbuf, gsem):
  nc = 2
  wid = lax.axis_index("s") * nc + lax.axis_index("c")
  b = wid // 8
  cb = (wid % 8) * _CPS
  lane = lax.iota(jnp.int32, 16)
  feats = (xs, ys, zs, rr, th, ph, f1, f2)

  def init_body(i, _):
    sent = _N + ((i * 16 + lane) & (_NSENT - 1))
    winner[i // 4, pl.ds((i % 4) * 16, 16)] = sent
    return 0

  lax.fori_loop(0, _CPS // 16, init_body, 0)

  p0 = b * _NPER

  def chunk_body(k, _):
    src_off = p0 + k * _CHUNK
    pltpu.sync_copy(cell_hbm.at[pl.ds(src_off, _CHUNK)], cellbuf)

    def vreg_body(i, _):
      c = cellbuf[pl.ds(i * 16, 16)]
      rel = c - cb
      valid = (rel >= 0) & (rel < _CPS)
      _, last = plsc.scan_count(rel, mask=valid)
      wmask = valid & last
      pidx = (src_off + i * 16) + lane
      plsc.store_scatter(
          winner,
          [lax.shift_right_logical(rel, 6), lax.bitwise_and(rel, 63)],
          pidx, mask=wmask)
      return 0

    lax.fori_loop(0, _CHUNK // 16, vreg_body, 0)
    return 0

  lax.fori_loop(0, _NPER // _CHUNK, chunk_body, 0)

  gstride = _HALF_A * 64
  for row0, nrows, half_off in ((0, _HALF_A, 0), (_HALF_A, _HALF_B, _HALF_A * 64)):
    ncell = nrows * 64
    for ch in range(8):

      def g_body(j, _, ch=ch, row0=row0):
        pltpu.async_copy(
            feats[ch].at[winner.at[row0 + j]],
            gbuf.at[pl.ds(ch * gstride + j * 64, 64)], gsem)
        return 0

      lax.fori_loop(0, nrows, g_body, 0)
    for ch in range(8):
      pltpu.make_async_copy(
          feats[ch].at[pl.ds(0, ncell)],
          gbuf.at[pl.ds(ch * gstride, ncell)], gsem).wait()
    for ch in range(8):
      off = b * (8 * _HW) + ch * _HW + cb + half_off
      pltpu.sync_copy(gbuf.at[pl.ds(ch * gstride, ncell)],
                      out_hbm.at[pl.ds(off, ncell)])


_sc_project = functools.partial(
    pl.kernel,
    out_type=jax.ShapeDtypeStruct((4 * 8 * _HW,), jnp.float32),
    mesh=plsc.VectorSubcoreMesh(core_axis_name="c", subcore_axis_name="s",
                                num_cores=2, num_subcores=16),
    compiler_params=pltpu.CompilerParams(needs_layout_passes=False),
    scratch_types=[
        pltpu.VMEM((_WROWS, 64), jnp.int32),
        pltpu.VMEM((_CHUNK,), jnp.int32),
        pltpu.VMEM((8 * _HALF_A * 64,), jnp.float32),
        pltpu.SemaphoreType.DMA,
    ],
)(_sc_body)


def kernel(points, batch_size):
  del batch_size
  pad = (0, _NPAD - _N)
  xs = jnp.pad(points[:, 1], pad)
  ys = jnp.pad(points[:, 2], pad)
  zs = jnp.pad(points[:, 3], pad)
  f1 = jnp.pad(points[:, 4], pad)
  f2 = jnp.pad(points[:, 5], pad)
  rr, th, ph, cell = _tc_transform(
      xs.reshape(_ROWS, 128), ys.reshape(_ROWS, 128), zs.reshape(_ROWS, 128))
  out = _sc_project(cell.reshape(_NPAD), xs, ys, zs, rr.reshape(_NPAD),
                    th.reshape(_NPAD), ph.reshape(_NPAD), f1, f2)
  return out.reshape(4, 8, _H, _W)

# --- scband reference (transcript-rebuilt; emitter-appended) ---
"""Pipeline reference for scband-basic-range-projection-36309653520942 (READ-ONLY COPY).

The authoritative reference and input builder live on the scoring server;
editing this copy changes nothing except your own understanding.
"""

import jax, jax.numpy as jnp
import numpy as np

FACTOR = 180.0 / np.pi
H_FOV = (-180.0 / FACTOR, 180.0 / FACTOR)
H_RES = 0.2 / FACTOR
V_FOV = (-25.0 / FACTOR, 3.0 / FACTOR)
V_RES = 0.4375 / FACTOR
W = int((H_FOV[1] - H_FOV[0]) / H_RES)
H = int((V_FOV[1] - V_FOV[0]) / V_RES)


def setup_inputs(seed: int = 0) -> dict:
    key = jax.random.key(seed)
    B = 4
    N_per = 200000
    k1, k2 = jax.random.split(key)
    xyz = jax.random.normal(k1, (B * N_per, 3), dtype=jnp.float32) * jnp.array([20.0, 20.0, 2.0], dtype=jnp.float32)
    feats = jax.random.uniform(k2, (B * N_per, 2), dtype=jnp.float32)
    bidx = jnp.repeat(jnp.arange(B, dtype=jnp.float32), N_per)[:, None]
    points = jnp.concatenate([bidx, xyz, feats], axis=1)
    return {"points": points, "batch_size": B}


def _xyz_to_rThetaPhi(xyz):
    r = jnp.linalg.norm(xyz, ord=2, axis=1, keepdims=True)
    theta = -jnp.arctan2(xyz[:, 1], xyz[:, 0])[:, None]
    phi = -jnp.arcsin(xyz[:, 2] / jnp.maximum(r[:, 0], 1e-05))[:, None]
    return jnp.concatenate([r, theta, phi], axis=-1)


def _project_one(pts, keep):
    xyz = pts[:, 0:3]
    rtp = _xyz_to_rThetaPhi(xyz)
    mask = keep & (rtp[:, 1] >= H_FOV[0]) & (rtp[:, 1] < H_FOV[1]) & (rtp[:, 2] >= V_FOV[0]) & (rtp[:, 2] < V_FOV[1])
    u = ((rtp[:, 1] - H_FOV[0]) / H_RES).astype(jnp.int32)
    v = ((rtp[:, 2] - V_FOV[0]) / V_RES).astype(jnp.int32)
    u = jnp.where(mask, u, W)
    v = jnp.where(mask, v, H)
    features = jnp.concatenate([pts[:, 0:3], rtp, pts[:, 3:]], axis=1)
    rv = jnp.zeros((H, W, features.shape[1]), dtype=pts.dtype)
    rv = rv.at[v, u].set(features, mode='drop')
    return jnp.transpose(rv, (2, 0, 1))


def reference(points, batch_size):
    bs_idx = points[:, 0]
    pts = points[:, 1:]
    nb = jnp.asarray(batch_size, dtype=bs_idx.dtype)
    imgs = []
    for b in range(4):
        b_val = jnp.minimum(jnp.asarray(b, dtype=bs_idx.dtype), nb - 1)
        keep = bs_idx == b_val
        imgs.append(_project_one(pts, keep)[None])
    return jnp.concatenate(imgs, axis=0)

if __name__ == "__main__":
    import jax
    _d = setup_inputs()
    print(jax.jit(kernel)(*tuple(_d.values())))

</pallas_src>

<mosaic_0001>
#map = affine_map<(d0, d1) -> (0)>
module attributes {stable_mosaic.version = 14 : i64} {
  func.func @_sc_body(%arg0: i32, %arg1: i32, %arg2: memref<802816xi32, #tpu.memory_space<hbm>>, %arg3: memref<802816xf32, #tpu.memory_space<hbm>>, %arg4: memref<802816xf32, #tpu.memory_space<hbm>>, %arg5: memref<802816xf32, #tpu.memory_space<hbm>>, %arg6: memref<802816xf32, #tpu.memory_space<hbm>>, %arg7: memref<802816xf32, #tpu.memory_space<hbm>>, %arg8: memref<802816xf32, #tpu.memory_space<hbm>>, %arg9: memref<802816xf32, #tpu.memory_space<hbm>>, %arg10: memref<802816xf32, #tpu.memory_space<hbm>>, %arg11: memref<3686400xf32, #tpu.memory_space<hbm>>, %arg12: memref<225x64xi32, #tpu.memory_space<vmem>>, %arg13: memref<4000xi32, #tpu.memory_space<vmem>>, %arg14: memref<57856xf32, #tpu.memory_space<vmem>>, %arg15: memref<!tpu.dma_semaphore, #tpu.memory_space<semaphore_mem>>) attributes {dimension_semantics = [#tpu.dimension_semantics<core_parallel>, #tpu.dimension_semantics<subcore_parallel>], iteration_bounds = array<i64: 2, 16>, scalar_prefetch = 0 : i64, scratch_operands = 4 : i64, tpu.core_type = #tpu.core_type<sc_vector_subcore>, window_params = [{transform_indices = #map}, {transform_indices = #map}, {transform_indices = #map}, {transform_indices = #map}, {transform_indices = #map}, {transform_indices = #map}, {transform_indices = #map}, {transform_indices = #map}, {transform_indices = #map}, {transform_indices = #map}]} {
    %mul3A = arith.constant 2 : i32
    %mul3A_0 = arith.muli %arg1, %mul3A : i32
    %add3A = arith.addi %mul3A_0, %arg0 : i32
    %jit3A = arith.constant 8 : i32
    %div3A = arith.divsi %add3A, %jit3A : i32
    %sign3A = arith.constant 0 : i32
    %sign3A_1 = arith.cmpi sgt, %add3A, %sign3A : i32
    %sign3A_2 = arith.extui %sign3A_1 : i1 to i32
    %sign3A_3 = arith.constant 0 : i32
    %sign3A_4 = arith.cmpi slt, %add3A, %sign3A_3 : i32
    %sign3A_5 = arith.extui %sign3A_4 : i1 to i32
    %sign3A_6 = arith.subi %sign3A_2, %sign3A_5 : i32
    %sign3A_7 = arith.constant 0 : i32
    %sign3A_8 = arith.cmpi sgt, %jit3A, %sign3A_7 : i32
    %sign3A_9 = arith.extui %sign3A_8 : i1 to i32
    %sign3A_10 = arith.constant 0 : i32
    %sign3A_11 = arith.cmpi slt, %jit3A, %sign3A_10 : i32
    %sign3A_12 = arith.extui %sign3A_11 : i1 to i32
    %sign3A_13 = arith.subi %sign3A_9, %sign3A_12 : i32
    %ne3A = arith.cmpi ne, %sign3A_6, %sign3A_13 : i32
    %rem3A = arith.remsi %add3A, %jit3A : i32
    %ne3A_14 = arith.constant 0 : i32
    %ne3A_15 = arith.cmpi ne, %rem3A, %ne3A_14 : i32
    %and3A = arith.andi %ne3A, %ne3A_15 : i1
    %sub3A = arith.constant 1 : i32
    %sub3A_16 = arith.subi %div3A, %sub3A : i32
    %select_n3A = arith.select %and3A, %sub3A_16, %div3A : i32
    %jit3A_17 = arith.constant 8 : i32
    %eq3A = arith.constant 0 : i32
    %eq3A_18 = arith.cmpi eq, %jit3A_17, %eq3A : i32
    %jit3A_19 = arith.constant 1 : i32
    %select_n3A_20 = arith.select %eq3A_18, %jit3A_19, %jit3A_17 : i32
    %rem3A_21 = arith.remsi %add3A, %select_n3A_20 : i32
    %ne3A_22 = arith.constant 0 : i32
    %ne3A_23 = arith.cmpi ne, %rem3A_21, %ne3A_22 : i32
    %lt3A = arith.constant 0 : i32
    %lt3A_24 = arith.cmpi slt, %rem3A_21, %lt3A : i32
    %lt3A_25 = arith.constant 0 : i32
    %lt3A_26 = arith.cmpi slt, %select_n3A_20, %lt3A_25 : i32
    %ne3A_27 = arith.xori %lt3A_24, %lt3A_26 : i1
    %and3A_28 = arith.andi %ne3A_27, %ne3A_23 : i1
    %add3A_29 = arith.addi %rem3A_21, %select_n3A_20 : i32
    %select_n3A_30 = arith.select %and3A_28, %add3A_29, %rem3A_21 : i32
    %mul3A_31 = arith.constant 14400 : i32
    %mul3A_32 = arith.muli %select_n3A_30, %mul3A_31 : i32
    %iota3A = tpu.iota {dimensions = array<i32: 0>} : vector<16xi32>
    %scan3A = arith.constant 0 : i32
    %scan3A_33 = arith.constant 0 : i32
    %scan3A_34 = arith.constant 900 : i32
    %scan3A_35 = arith.addi %scan3A_33, %scan3A_34 : i32
    %scan3A_36 = arith.constant 1 : i32
    %scan3A_37 = scf.for %scan3A_399 = %scan3A_33 to %scan3A_35 step %scan3A_36 iter_args(%scan3A_400 = %scan3A) -> (i32)  : i32 {
      %mul3A_401 = arith.constant 16 : i32
      %mul3A_402 = arith.muli %scan3A_399, %mul3A_401 : i32
      %add3A_403 = vector.broadcast %mul3A_402 : i32 to vector<16xi32>
      %add3A_404 = arith.addi %add3A_403, %iota3A : vector<16xi32>
      %and3A_405 = arith.constant 2047 : i32
      %and3A_406 = vector.broadcast %and3A_405 : i32 to vector<16xi32>
      %and3A_407 = arith.andi %add3A_404, %and3A_406 : vector<16xi32>
      %add3A_408 = arith.constant 800000 : i32
      %add3A_409 = vector.broadcast %add3A_408 : i32 to vector<16xi32>
      %add3A_410 = arith.addi %add3A_409, %and3A_407 : vector<16xi32>
      %jit3A_411 = arith.constant 4 : i32
      %div3A_412 = arith.divsi %scan3A_399, %jit3A_411 : i32
      %sign3A_413 = arith.constant 0 : i32
      %sign3A_414 = arith.cmpi sgt, %scan3A_399, %sign3A_413 : i32
      %sign3A_415 = arith.extui %sign3A_414 : i1 to i32
      %sign3A_416 = arith.constant 0 : i32
      %sign3A_417 = arith.cmpi slt, %scan3A_399, %sign3A_416 : i32
      %sign3A_418 = arith.extui %sign3A_417 : i1 to i32
      %sign3A_419 = arith.subi %sign3A_415, %sign3A_418 : i32
      %sign3A_420 = arith.constant 0 : i32
      %sign3A_421 = arith.cmpi sgt, %jit3A_411, %sign3A_420 : i32
      %sign3A_422 = arith.extui %sign3A_421 : i1 to i32
      %sign3A_423 = arith.constant 0 : i32
      %sign3A_424 = arith.cmpi slt, %jit3A_411, %sign3A_423 : i32
      %sign3A_425 = arith.extui %sign3A_424 : i1 to i32
      %sign3A_426 = arith.subi %sign3A_422, %sign3A_425 : i32
      %ne3A_427 = arith.cmpi ne, %sign3A_419, %sign3A_426 : i32
      %rem3A_428 = arith.remsi %scan3A_399, %jit3A_411 : i32
      %ne3A_429 = arith.constant 0 : i32
      %ne3A_430 = arith.cmpi ne, %rem3A_428, %ne3A_429 : i32
      %and3A_431 = arith.andi %ne3A_427, %ne3A_430 : i1
      %sub3A_432 = arith.constant 1 : i32
      %sub3A_433 = arith.subi %div3A_412, %sub3A_432 : i32
      %select_n3A_434 = arith.select %and3A_431, %sub3A_433, %div3A_412 : i32
      %jit3A_435 = arith.constant 4 : i32
      %eq3A_436 = arith.constant 0 : i32
      %eq3A_437 = arith.cmpi eq, %jit3A_435, %eq3A_436 : i32
      %jit3A_438 = arith.constant 1 : i32
      %select_n3A_439 = arith.select %eq3A_437, %jit3A_438, %jit3A_435 : i32
      %rem3A_440 = arith.remsi %scan3A_399, %select_n3A_439 : i32
      %ne3A_441 = arith.constant 0 : i32
      %ne3A_442 = arith.cmpi ne, %rem3A_440, %ne3A_441 : i32
      %lt3A_443 = arith.constant 0 : i32
      %lt3A_444 = arith.cmpi slt, %rem3A_440, %lt3A_443 : i32
      %lt3A_445 = arith.constant 0 : i32
      %lt3A_446 = arith.cmpi slt, %select_n3A_439, %lt3A_445 : i32
      %ne3A_447 = arith.xori %lt3A_444, %lt3A_446 : i1
      %and3A_448 = arith.andi %ne3A_447, %ne3A_442 : i1
      %add3A_449 = arith.addi %rem3A_440, %select_n3A_439 : i32
      %select_n3A_450 = arith.select %and3A_448, %add3A_449, %rem3A_440 : i32
      %mul3A_451 = arith.constant 16 : i32
      %mul3A_452 = arith.muli %select_n3A_450, %mul3A_451 : i32
      %swap3A = arith.index_cast %select_n3A_434 : i32 to index
      %swap3A_453 = arith.index_cast %mul3A_452 : i32 to index
      %swap3A_454 = tpu.vector_load %arg12[%swap3A, %swap3A_453] {strides = array<i32>} : memref<225x64xi32, #tpu.memory_space<vmem>>, vector<16xi32>,
      tpu.vector_store %arg12[%swap3A, %swap3A_453], %add3A_410 {strides = array<i32>} : memref<225x64xi32, #tpu.memory_space<vmem>>, vector<16xi32>,
      %scan3A_455 = arith.constant 0 : i32
      scf.yield %scan3A_455 : i32
    }
    %scan3A_38 = arith.constant 900 : i32
    %mul3A_39 = arith.constant 200000 : i32
    %mul3A_40 = arith.muli %select_n3A, %mul3A_39 : i32
    %scan3A_41 = arith.constant 0 : i32
    %scan3A_42 = arith.constant 0 : i32
    %scan3A_43 = arith.constant 50 : i32
    %scan3A_44 = arith.addi %scan3A_42, %scan3A_43 : i32
    %scan3A_45 = arith.constant 1 : i32
    %scan3A_46 = scf.for %scan3A_399 = %scan3A_42 to %scan3A_44 step %scan3A_45 iter_args(%scan3A_400 = %scan3A_41) -> (i32)  : i32 {
      %mul3A_401 = arith.constant 4000 : i32
      %mul3A_402 = arith.muli %scan3A_399, %mul3A_401 : i32
      %add3A_403 = arith.addi %mul3A_40, %mul3A_402 : i32
      "tpu.region"() ({
        %run_scoped3A = tpu.sem_alloc : memref<!tpu.dma_semaphore, #tpu.memory_space<semaphore_mem>>
        %dma_start3A = tpu.memref_slice %arg2[%add3A_403] : memref<802816xi32, #tpu.memory_space<hbm>> -> memref<4000xi32, #tpu.memory_space<hbm>>
        %dma_start3A_412 = tpu.memref_slice %arg2[%add3A_403] : memref<802816xi32, #tpu.memory_space<hbm>> -> memref<4000xi32, #tpu.memory_space<hbm>>
        tpu.enqueue_dma source(%dma_start3A_412 : memref<4000xi32, #tpu.memory_space<hbm>>) target(%arg13 : memref<4000xi32, #tpu.memory_space<vmem>>) target_semaphore(%run_scoped3A : memref<!tpu.dma_semaphore, #tpu.memory_space<semaphore_mem>>)
        %dma_wait3A_413 = tpu.memref_slice %arg2[%add3A_403] : memref<802816xi32, #tpu.memory_space<hbm>> -> memref<4000xi32, #tpu.memory_space<hbm>>
        %dma_wait3A_414 = tpu.memref_slice %arg2[%add3A_403] : memref<802816xi32, #tpu.memory_space<hbm>> -> memref<4000xi32, #tpu.memory_space<hbm>>
        tpu.wait_dma2 semaphore(%run_scoped3A : memref<!tpu.dma_semaphore, #tpu.memory_space<semaphore_mem>>) src(%dma_wait3A_414 : memref<4000xi32, #tpu.memory_space<hbm>>) dst(%arg13 : memref<4000xi32, #tpu.memory_space<vmem>>)
        tpu.yield
      }) : () -> ()
      %scan3A_404 = arith.constant 0 : i32
      %scan3A_405 = arith.constant 0 : i32
      %scan3A_406 = arith.constant 250 : i32
      %scan3A_407 = arith.addi %scan3A_405, %scan3A_406 : i32
      %scan3A_408 = arith.constant 1 : i32
      %scan3A_409 = scf.for %scan3A_412 = %scan3A_405 to %scan3A_407 step %scan3A_408 iter_args(%scan3A_413 = %scan3A_404) -> (i32)  : i32 {
        %mul3A_414 = arith.constant 16 : i32
        %mul3A_415 = arith.muli %scan3A_412, %mul3A_414 : i32
        %get3A = arith.index_cast %mul3A_415 : i32 to index
        %get3A_416 = tpu.vector_load %arg13[%get3A] {strides = array<i32>} : memref<4000xi32, #tpu.memory_space<vmem>>, vector<16xi32>,
        %sub3A_417 = vector.broadcast %mul3A_32 : i32 to vector<16xi32>
        %sub3A_418 = arith.subi %get3A_416, %sub3A_417 : vector<16xi32>
        %ge3A = arith.constant 0 : i32
        %ge3A_419 = vector.broadcast %ge3A : i32 to vector<16xi32>
        %ge3A_420 = arith.cmpi sge, %sub3A_418, %ge3A_419 : vector<16xi32>
        %lt3A_421 = arith.constant 14400 : i32
        %lt3A_422 = vector.broadcast %lt3A_421 : i32 to vector<16xi32>
        %lt3A_423 = arith.cmpi slt, %sub3A_418, %lt3A_422 : vector<16xi32>
        %and3A_424 = arith.andi %ge3A_420, %lt3A_423 : vector<16xi1>
        %unique3A, %unique3A_425 = tpu.scan_count mask(%and3A_424 : vector<16xi1>) value(%sub3A_418 : vector<16xi32>) : vector<16xi1>, vector<16xi32>
        %and3A_426 = arith.andi %and3A_424, %unique3A : vector<16xi1>
        %mul3A_427 = arith.constant 16 : i32
        %mul3A_428 = arith.muli %scan3A_412, %mul3A_427 : i32
        %add3A_429 = arith.addi %add3A_403, %mul3A_428 : i32
        %add3A_430 = vector.broadcast %add3A_429 : i32 to vector<16xi32>
        %add3A_431 = arith.addi %add3A_430, %iota3A : vector<16xi32>
        %shift_right_logical3A = arith.constant 6 : i32
        %shift_right_logical3A_432 = vector.broadcast %shift_right_logical3A : i32 to vector<16xi32>
        %shift_right_logical3A_433 = arith.shrui %sub3A_418, %shift_right_logical3A_432 : vector<16xi32>
        %and3A_434 = arith.constant 63 : i32
        %and3A_435 = vector.broadcast %and3A_434 : i32 to vector<16xi32>
        %and3A_436 = arith.andi %sub3A_418, %and3A_435 : vector<16xi32>
        tpu.vector_store_idx %arg12[%shift_right_logical3A_433, %and3A_436], %add3A_431 masked %and3A_426 : memref<225x64xi32, #tpu.memory_space<vmem>>[vector<16xi32>, vector<16xi32>], vector<16xi32>, vector<16xi1>
        %scan3A_437 = arith.constant 0 : i32
        scf.yield %scan3A_437 : i32
      }
      %scan3A_410 = arith.constant 250 : i32
      %scan3A_411 = arith.constant 0 : i32
      scf.yield %scan3A_411 : i32
    }
    %scan3A_47 = arith.constant 50 : i32
    %scan3A_48 = arith.constant 0 : i32
    %scan3A_49 = arith.constant 0 : i32
    %scan3A_50 = arith.constant 113 : i32
    %scan3A_51 = arith.addi %scan3A_49, %scan3A_50 : i32
    %scan3A_52 = arith.constant 1 : i32
    %scan3A_53 = scf.for %scan3A_399 = %scan3A_49 to %scan3A_51 step %scan3A_52 iter_args(%scan3A_400 = %scan3A_48) -> (i32)  : i32 {
      %add3A_401 = arith.constant 0 : i32
      %add3A_402 = arith.addi %add3A_401, %scan3A_399 : i32
      %mul3A_403 = arith.constant 64 : i32
      %mul3A_404 = arith.muli %scan3A_399, %mul3A_403 : i32
      %add3A_405 = arith.constant 0 : i32
      %add3A_406 = arith.addi %add3A_405, %mul3A_404 : i32
      %dma_start3A = tpu.memref_slice %arg14[%add3A_406] : memref<57856xf32, #tpu.memory_space<vmem>> -> memref<64xf32, #tpu.memory_space<vmem>>
      %dma_start3A_407 = arith.constant 0 : i32
      %dma_start3A_408 = tpu.memref_slice %arg12[%add3A_402, %dma_start3A_407] : memref<225x64xi32, #tpu.memory_space<vmem>> -> memref<1x64xi32, #tpu.memory_space<vmem>>
      %dma_start3A_409 = tpu.memref_squeeze %dma_start3A_408 : memref<1x64xi32, #tpu.memory_space<vmem>> -> memref<64xi32, #tpu.memory_space<vmem>>
      %dma_start3A_410 = arith.constant 0 : i32
      %dma_start3A_411 = tpu.memref_slice %arg3[%dma_start3A_410] : memref<802816xf32, #tpu.memory_space<hbm>> -> memref<802816xf32, #tpu.memory_space<hbm>>
      tpu.enqueue_indirect_dma source(%dma_start3A_411 : memref<802816xf32, #tpu.memory_space<hbm>>) target(%dma_start3A : memref<64xf32, #tpu.memory_space<vmem>>) offsets(%dma_start3A_409 : memref<64xi32, #tpu.memory_space<vmem>>) semaphore(%arg15 : memref<!tpu.dma_semaphore, #tpu.memory_space<semaphore_mem>>)
      %scan3A_412 = arith.constant 0 : i32
      scf.yield %scan3A_412 : i32
    }
    %scan3A_54 = arith.constant 113 : i32
    %scan3A_55 = arith.constant 0 : i32
    %scan3A_56 = arith.constant 0 : i32
    %scan3A_57 = arith.constant 113 : i32
    %scan3A_58 = arith.addi %scan3A_56, %scan3A_57 : i32
    %scan3A_59 = arith.constant 1 : i32
    %scan3A_60 = scf.for %scan3A_399 = %scan3A_56 to %scan3A_58 step %scan3A_59 iter_args(%scan3A_400 = %scan3A_55) -> (i32)  : i32 {
      %add3A_401 = arith.constant 0 : i32
      %add3A_402 = arith.addi %add3A_401, %scan3A_399 : i32
      %mul3A_403 = arith.constant 64 : i32
      %mul3A_404 = arith.muli %scan3A_399, %mul3A_403 : i32
      %add3A_405 = arith.constant 7232 : i32
      %add3A_406 = arith.addi %add3A_405, %mul3A_404 : i32
      %dma_start3A = tpu.memref_slice %arg14[%add3A_406] : memref<57856xf32, #tpu.memory_space<vmem>> -> memref<64xf32, #tpu.memory_space<vmem>>
      %dma_start3A_407 = arith.constant 0 : i32
      %dma_start3A_408 = tpu.memref_slice %arg12[%add3A_402, %dma_start3A_407] : memref<225x64xi32, #tpu.memory_space<vmem>> -> memref<1x64xi32, #tpu.memory_space<vmem>>
      %dma_start3A_409 = tpu.memref_squeeze %dma_start3A_408 : memref<1x64xi32, #tpu.memory_space<vmem>> -> memref<64xi32, #tpu.memory_space<vmem>>
      %dma_start3A_410 = arith.constant 0 : i32
      %dma_start3A_411 = tpu.memref_slice %arg4[%dma_start3A_410] : memref<802816xf32, #tpu.memory_space<hbm>> -> memref<802816xf32, #tpu.memory_space<hbm>>
      tpu.enqueue_indirect_dma source(%dma_start3A_411 : memref<802816xf32, #tpu.memory_space<hbm>>) target(%dma_start3A : memref<64xf32, #tpu.memory_space<vmem>>) offsets(%dma_start3A_409 : memref<64xi32, #tpu.memory_space<vmem>>) semaphore(%arg15 : memref<!tpu.dma_semaphore, #tpu.memory_space<semaphore_mem>>)
      %scan3A_412 = arith.constant 0 : i32
      scf.yield %scan3A_412 : i32
    }
    %scan3A_61 = arith.constant 113 : i32
    %scan3A_62 = arith.constant 0 : i32
    %scan3A_63 = arith.constant 0 : i32
    %scan3A_64 = arith.constant 113 : i32
    %scan3A_65 = arith.addi %scan3A_63, %scan3A_64 : i32
    %scan3A_66 = arith.constant 1 : i32
    %scan3A_67 = scf.for %scan3A_399 = %scan3A_63 to %scan3A_65 step %scan3A_66 iter_args(%scan3A_400 = %scan3A_62) -> (i32)  : i32 {
      %add3A_401 = arith.constant 0 : i32
      %add3A_402 = arith.addi %add3A_401, %scan3A_399 : i32
      %mul3A_403 = arith.constant 64 : i32
      %mul3A_404 = arith.muli %scan3A_399, %mul3A_403 : i32
      %add3A_405 = arith.constant 14464 : i32
      %add3A_406 = arith.addi %add3A_405, %mul3A_404 : i32
      %dma_start3A = tpu.memref_slice %arg14[%add3A_406] : memref<57856xf32, #tpu.memory_space<vmem>> -> memref<64xf32, #tpu.memory_space<vmem>>
      %dma_start3A_407 = arith.constant 0 : i32
      %dma_start3A_408 = tpu.memref_slice %arg12[%add3A_402, %dma_start3A_407] : memref<225x64xi32, #tpu.memory_space<vmem>> -> memref<1x64xi32, #tpu.memory_space<vmem>>
      %dma_start3A_409 = tpu.memref_squeeze %dma_start3A_408 : memref<1x64xi32, #tpu.memory_space<vmem>> -> memref<64xi32, #tpu.memory_space<vmem>>
      %dma_start3A_410 = arith.constant 0 : i32
      %dma_start3A_411 = tpu.memref_slice %arg5[%dma_start3A_410] : memref<802816xf32, #tpu.memory_space<hbm>> -> memref<802816xf32, #tpu.memory_space<hbm>>
      tpu.enqueue_indirect_dma source(%dma_start3A_411 : memref<802816xf32, #tpu.memory_space<hbm>>) target(%dma_start3A : memref<64xf32, #tpu.memory_space<vmem>>) offsets(%dma_start3A_409 : memref<64xi32, #tpu.memory_space<vmem>>) semaphore(%arg15 : memref<!tpu.dma_semaphore, #tpu.memory_space<semaphore_mem>>)
      %scan3A_412 = arith.constant 0 : i32
      scf.yield %scan3A_412 : i32
    }
    %scan3A_68 = arith.constant 113 : i32
    %scan3A_69 = arith.constant 0 : i32
    %scan3A_70 = arith.constant 0 : i32
    %scan3A_71 = arith.constant 113 : i32
    %scan3A_72 = arith.addi %scan3A_70, %scan3A_71 : i32
    %scan3A_73 = arith.constant 1 : i32
    %scan3A_74 = scf.for %scan3A_399 = %scan3A_70 to %scan3A_72 step %scan3A_73 iter_args(%scan3A_400 = %scan3A_69) -> (i32)  : i32 {
      %add3A_401 = arith.constant 0 : i32
      %add3A_402 = arith.addi %add3A_401, %scan3A_399 : i32
      %mul3A_403 = arith.constant 64 : i32
      %mul3A_404 = arith.muli %scan3A_399, %mul3A_403 : i32
      %add3A_405 = arith.constant 21696 : i32
      %add3A_406 = arith.addi %add3A_405, %mul3A_404 : i32
      %dma_start3A = tpu.memref_slice %arg14[%add3A_406] : memref<57856xf32, #tpu.memory_space<vmem>> -> memref<64xf32, #tpu.memory_space<vmem>>
      %dma_start3A_407 = arith.constant 0 : i32
      %dma_start3A_408 = tpu.memref_slice %arg12[%add3A_402, %dma_start3A_407] : memref<225x64xi32, #tpu.memory_space<vmem>> -> memref<1x64xi32, #tpu.memory_space<vmem>>
      %dma_start3A_409 = tpu.memref_squeeze %dma_start3A_408 : memref<1x64xi32, #tpu.memory_space<vmem>> -> memref<64xi32, #tpu.memory_space<vmem>>
      %dma_start3A_410 = arith.constant 0 : i32
      %dma_start3A_411 = tpu.memref_slice %arg6[%dma_start3A_410] : memref<802816xf32, #tpu.memory_space<hbm>> -> memref<802816xf32, #tpu.memory_space<hbm>>
      tpu.enqueue_indirect_dma source(%dma_start3A_411 : memref<802816xf32, #tpu.memory_space<hbm>>) target(%dma_start3A : memref<64xf32, #tpu.memory_space<vmem>>) offsets(%dma_start3A_409 : memref<64xi32, #tpu.memory_space<vmem>>) semaphore(%arg15 : memref<!tpu.dma_semaphore, #tpu.memory_space<semaphore_mem>>)
      %scan3A_412 = arith.constant 0 : i32
      scf.yield %scan3A_412 : i32
    }
    %scan3A_75 = arith.constant 113 : i32
    %scan3A_76 = arith.constant 0 : i32
    %scan3A_77 = arith.constant 0 : i32
    %scan3A_78 = arith.constant 113 : i32
    %scan3A_79 = arith.addi %scan3A_77, %scan3A_78 : i32
    %scan3A_80 = arith.constant 1 : i32
    %scan3A_81 = scf.for %scan3A_399 = %scan3A_77 to %scan3A_79 step %scan3A_80 iter_args(%scan3A_400 = %scan3A_76) -> (i32)  : i32 {
      %add3A_401 = arith.constant 0 : i32
      %add3A_402 = arith.addi %add3A_401, %scan3A_399 : i32
      %mul3A_403 = arith.constant 64 : i32
      %mul3A_404 = arith.muli %scan3A_399, %mul3A_403 : i32
      %add3A_405 = arith.constant 28928 : i32
      %add3A_406 = arith.addi %add3A_405, %mul3A_404 : i32
      %dma_start3A = tpu.memref_slice %arg14[%add3A_406] : memref<57856xf32, #tpu.memory_space<vmem>> -> memref<64xf32, #tpu.memory_space<vmem>>
      %dma_start3A_407 = arith.constant 0 : i32
      %dma_start3A_408 = tpu.memref_slice %arg12[%add3A_402, %dma_start3A_407] : memref<225x64xi32, #tpu.memory_space<vmem>> -> memref<1x64xi32, #tpu.memory_space<vmem>>
      %dma_start3A_409 = tpu.memref_squeeze %dma_start3A_408 : memref<1x64xi32, #tpu.memory_space<vmem>> -> memref<64xi32, #tpu.memory_space<vmem>>
      %dma_start3A_410 = arith.constant 0 : i32
      %dma_start3A_411 = tpu.memref_slice %arg7[%dma_start3A_410] : memref<802816xf32, #tpu.memory_space<hbm>> -> memref<802816xf32, #tpu.memory_space<hbm>>
      tpu.enqueue_indirect_dma source(%dma_start3A_411 : memref<802816xf32, #tpu.memory_space<hbm>>) target(%dma_start3A : memref<64xf32, #tpu.memory_space<vmem>>) offsets(%dma_start3A_409 : memref<64xi32, #tpu.memory_space<vmem>>) semaphore(%arg15 : memref<!tpu.dma_semaphore, #tpu.memory_space<semaphore_mem>>)
      %scan3A_412 = arith.constant 0 : i32
      scf.yield %scan3A_412 : i32
    }
    %scan3A_82 = arith.constant 113 : i32
    %scan3A_83 = arith.constant 0 : i32
    %scan3A_84 = arith.constant 0 : i32
    %scan3A_85 = arith.constant 113 : i32
    %scan3A_86 = arith.addi %scan3A_84, %scan3A_85 : i32
    %scan3A_87 = arith.constant 1 : i32
    %scan3A_88 = scf.for %scan3A_399 = %scan3A_84 to %scan3A_86 step %scan3A_87 iter_args(%scan3A_400 = %scan3A_83) -> (i32)  : i32 {
      %add3A_401 = arith.constant 0 : i32
      %add3A_402 = arith.addi %add3A_401, %scan3A_399 : i32
      %mul3A_403 = arith.constant 64 : i32
      %mul3A_404 = arith.muli %scan3A_399, %mul3A_403 : i32
      %add3A_405 = arith.constant 36160 : i32
      %add3A_406 = arith.addi %add3A_405, %mul3A_404 : i32
      %dma_start3A = tpu.memref_slice %arg14[%add3A_406] : memref<57856xf32, #tpu.memory_space<vmem>> -> memref<64xf32, #tpu.memory_space<vmem>>
      %dma_start3A_407 = arith.constant 0 : i32
      %dma_start3A_408 = tpu.memref_slice %arg12[%add3A_402, %dma_start3A_407] : memref<225x64xi32, #tpu.memory_space<vmem>> -> memref<1x64xi32, #tpu.memory_space<vmem>>
      %dma_start3A_409 = tpu.memref_squeeze %dma_start3A_408 : memref<1x64xi32, #tpu.memory_space<vmem>> -> memref<64xi32, #tpu.memory_space<vmem>>
      %dma_start3A_410 = arith.constant 0 : i32
      %dma_start3A_411 = tpu.memref_slice %arg8[%dma_start3A_410] : memref<802816xf32, #tpu.memory_space<hbm>> -> memref<802816xf32, #tpu.memory_space<hbm>>
      tpu.enqueue_indirect_dma source(%dma_start3A_411 : memref<802816xf32, #tpu.memory_space<hbm>>) target(%dma_start3A : memref<64xf32, #tpu.memory_space<vmem>>) offsets(%dma_start3A_409 : memref<64xi32, #tpu.memory_space<vmem>>) semaphore(%arg15 : memref<!tpu.dma_semaphore, #tpu.memory_space<semaphore_mem>>)
      %scan3A_412 = arith.constant 0 : i32
      scf.yield %scan3A_412 : i32
    }
    %scan3A_89 = arith.constant 113 : i32
    %scan3A_90 = arith.constant 0 : i32
    %scan3A_91 = arith.constant 0 : i32
    %scan3A_92 = arith.constant 113 : i32
    %scan3A_93 = arith.addi %scan3A_91, %scan3A_92 : i32
    %scan3A_94 = arith.constant 1 : i32
    %scan3A_95 = scf.for %scan3A_399 = %scan3A_91 to %scan3A_93 step %scan3A_94 iter_args(%scan3A_400 = %scan3A_90) -> (i32)  : i32 {
      %add3A_401 = arith.constant 0 : i32
      %add3A_402 = arith.addi %add3A_401, %scan3A_399 : i32
      %mul3A_403 = arith.constant 64 : i32
      %mul3A_404 = arith.muli %scan3A_399, %mul3A_403 : i32
      %add3A_405 = arith.constant 43392 : i32
      %add3A_406 = arith.addi %add3A_405, %mul3A_404 : i32
      %dma_start3A = tpu.memref_slice %arg14[%add3A_406] : memref<57856xf32, #tpu.memory_space<vmem>> -> memref<64xf32, #tpu.memory_space<vmem>>
      %dma_start3A_407 = arith.constant 0 : i32
      %dma_start3A_408 = tpu.memref_slice %arg12[%add3A_402, %dma_start3A_407] : memref<225x64xi32, #tpu.memory_space<vmem>> -> memref<1x64xi32, #tpu.memory_space<vmem>>
      %dma_start3A_409 = tpu.memref_squeeze %dma_start3A_408 : memref<1x64xi32, #tpu.memory_space<vmem>> -> memref<64xi32, #tpu.memory_space<vmem>>
      %dma_start3A_410 = arith.constant 0 : i32
      %dma_start3A_411 = tpu.memref_slice %arg9[%dma_start3A_410] : memref<802816xf32, #tpu.memory_space<hbm>> -> memref<802816xf32, #tpu.memory_space<hbm>>
      tpu.enqueue_indirect_dma source(%dma_start3A_411 : memref<802816xf32, #tpu.memory_space<hbm>>) target(%dma_start3A : memref<64xf32, #tpu.memory_space<vmem>>) offsets(%dma_start3A_409 : memref<64xi32, #tpu.memory_space<vmem>>) semaphore(%arg15 : memref<!tpu.dma_semaphore, #tpu.memory_space<semaphore_mem>>)
      %scan3A_412 = arith.constant 0 : i32
      scf.yield %scan3A_412 : i32
    }
    %scan3A_96 = arith.constant 113 : i32
    %scan3A_97 = arith.constant 0 : i32
    %scan3A_98 = arith.constant 0 : i32
    %scan3A_99 = arith.constant 113 : i32
    %scan3A_100 = arith.addi %scan3A_98, %scan3A_99 : i32
    %scan3A_101 = arith.constant 1 : i32
    %scan3A_102 = scf.for %scan3A_399 = %scan3A_98 to %scan3A_100 step %scan3A_101 iter_args(%scan3A_400 = %scan3A_97) -> (i32)  : i32 {
      %add3A_401 = arith.constant 0 : i32
      %add3A_402 = arith.addi %add3A_401, %scan3A_399 : i32
      %mul3A_403 = arith.constant 64 : i32
      %mul3A_404 = arith.muli %scan3A_399, %mul3A_403 : i32
      %add3A_405 = arith.constant 50624 : i32
      %add3A_406 = arith.addi %add3A_405, %mul3A_404 : i32
      %dma_start3A = tpu.memref_slice %arg14[%add3A_406] : memref<57856xf32, #tpu.memory_space<vmem>> -> memref<64xf32, #tpu.memory_space<vmem>>
      %dma_start3A_407 = arith.constant 0 : i32
      %dma_start3A_408 = tpu.memref_slice %arg12[%add3A_402, %dma_start3A_407] : memref<225x64xi32, #tpu.memory_space<vmem>> -> memref<1x64xi32, #tpu.memory_space<vmem>>
      %dma_start3A_409 = tpu.memref_squeeze %dma_start3A_408 : memref<1x64xi32, #tpu.memory_space<vmem>> -> memref<64xi32, #tpu.memory_space<vmem>>
      %dma_start3A_410 = arith.constant 0 : i32
      %dma_start3A_411 = tpu.memref_slice %arg10[%dma_start3A_410] : memref<802816xf32, #tpu.memory_space<hbm>> -> memref<802816xf32, #tpu.memory_space<hbm>>
      tpu.enqueue_indirect_dma source(%dma_start3A_411 : memref<802816xf32, #tpu.memory_space<hbm>>) target(%dma_start3A : memref<64xf32, #tpu.memory_space<vmem>>) offsets(%dma_start3A_409 : memref<64xi32, #tpu.memory_space<vmem>>) semaphore(%arg15 : memref<!tpu.dma_semaphore, #tpu.memory_space<semaphore_mem>>)
      %scan3A_412 = arith.constant 0 : i32
      scf.yield %scan3A_412 : i32
    }
    %scan3A_103 = arith.constant 113 : i32
    %dma_wait3A = arith.constant 0 : i32
    %dma_wait3A_104 = tpu.memref_slice %arg14[%dma_wait3A] : memref<57856xf32, #tpu.memory_space<vmem>> -> memref<7232xf32, #tpu.memory_space<vmem>>
    %dma_wait3A_105 = arith.constant 0 : i32
    %dma_wait3A_106 = tpu.memref_slice %arg3[%dma_wait3A_105] : memref<802816xf32, #tpu.memory_space<hbm>> -> memref<7232xf32, #tpu.memory_space<hbm>>
    %dma_wait3A_107 = arith.constant 0 : i32
    %dma_wait3A_108 = tpu.memref_slice %arg14[%dma_wait3A_107] : memref<57856xf32, #tpu.memory_space<vmem>> -> memref<7232xf32, #tpu.memory_space<vmem>>
    %dma_wait3A_109 = arith.constant 0 : i32
    %dma_wait3A_110 = tpu.memref_slice %arg3[%dma_wait3A_109] : memref<802816xf32, #tpu.memory_space<hbm>> -> memref<7232xf32, #tpu.memory_space<hbm>>
    tpu.wait_dma2 semaphore(%arg15 : memref<!tpu.dma_semaphore, #tpu.memory_space<semaphore_mem>>) src(%dma_wait3A_110 : memref<7232xf32, #tpu.memory_space<hbm>>) dst(%dma_wait3A_108 : memref<7232xf32, #tpu.memory_space<vmem>>)
    %dma_wait3A_111 = arith.constant 7232 : i32
    %dma_wait3A_112 = tpu.memref_slice %arg14[%dma_wait3A_111] : memref<57856xf32, #tpu.memory_space<vmem>> -> memref<7232xf32, #tpu.memory_space<vmem>>
    %dma_wait3A_113 = arith.constant 0 : i32
    %dma_wait3A_114 = tpu.memref_slice %arg4[%dma_wait3A_113] : memref<802816xf32, #tpu.memory_space<hbm>> -> memref<7232xf32, #tpu.memory_space<hbm>>
    %dma_wait3A_115 = arith.constant 7232 : i32
    %dma_wait3A_116 = tpu.memref_slice %arg14[%dma_wait3A_115] : memref<57856xf32, #tpu.memory_space<vmem>> -> memref<7232xf32, #tpu.memory_space<vmem>>
    %dma_wait3A_117 = arith.constant 0 : i32
    %dma_wait3A_118 = tpu.memref_slice %arg4[%dma_wait3A_117] : memref<802816xf32, #tpu.memory_space<hbm>> -> memref<7232xf32, #tpu.memory_space<hbm>>
    tpu.wait_dma2 semaphore(%arg15 : memref<!tpu.dma_semaphore, #tpu.memory_space<semaphore_mem>>) src(%dma_wait3A_118 : memref<7232xf32, #tpu.memory_space<hbm>>) dst(%dma_wait3A_116 : memref<7232xf32, #tpu.memory_space<vmem>>)
    %dma_wait3A_119 = arith.constant 14464 : i32
    %dma_wait3A_120 = tpu.memref_slice %arg14[%dma_wait3A_119] : memref<57856xf32, #tpu.memory_space<vmem>> -> memref<7232xf32, #tpu.memory_space<vmem>>
    %dma_wait3A_121 = arith.constant 0 : i32
    %dma_wait3A_122 = tpu.memref_slice %arg5[%dma_wait3A_121] : memref<802816xf32, #tpu.memory_space<hbm>> -> memref<7232xf32, #tpu.memory_space<hbm>>
    %dma_wait3A_123 = arith.constant 14464 : i32
    %dma_wait3A_124 = tpu.memref_slice %arg14[%dma_wait3A_123] : memref<57856xf32, #tpu.memory_space<vmem>> -> memref<7232xf32, #tpu.memory_space<vmem>>
    %dma_wait3A_125 = arith.constant 0 : i32
    %dma_wait3A_126 = tpu.memref_slice %arg5[%dma_wait3A_125] : memref<802816xf32, #tpu.memory_space<hbm>> -> memref<7232xf32, #tpu.memory_space<hbm>>
    tpu.wait_dma2 semaphore(%arg15 : memref<!tpu.dma_semaphore, #tpu.memory_space<semaphore_mem>>) src(%dma_wait3A_126 : memref<7232xf32, #tpu.memory_space<hbm>>) dst(%dma_wait3A_124 : memref<7232xf32, #tpu.memory_space<vmem>>)
    %dma_wait3A_127 = arith.constant 21696 : i32
    %dma_wait3A_128 = tpu.memref_slice %arg14[%dma_wait3A_127] : memref<57856xf32, #tpu.memory_space<vmem>> -> memref<7232xf32, #tpu.memory_space<vmem>>
    %dma_wait3A_129 = arith.constant 0 : i32
    %dma_wait3A_130 = tpu.memref_slice %arg6[%dma_wait3A_129] : memref<802816xf32, #tpu.memory_space<hbm>> -> memref<7232xf32, #tpu.memory_space<hbm>>
    %dma_wait3A_131 = arith.constant 21696 : i32
    %dma_wait3A_132 = tpu.memref_slice %arg14[%dma_wait3A_131] : memref<57856xf32, #tpu.memory_space<vmem>> -> memref<7232xf32, #tpu.memory_space<vmem>>
    %dma_wait3A_133 = arith.constant 0 : i32
    %dma_wait3A_134 = tpu.memref_slice %arg6[%dma_wait3A_133] : memref<802816xf32, #tpu.memory_space<hbm>> -> memref<7232xf32, #tpu.memory_space<hbm>>
    tpu.wait_dma2 semaphore(%arg15 : memref<!tpu.dma_semaphore, #tpu.memory_space<semaphore_mem>>) src(%dma_wait3A_134 : memref<7232xf32, #tpu.memory_space<hbm>>) dst(%dma_wait3A_132 : memref<7232xf32, #tpu.memory_space<vmem>>)
    %dma_wait3A_135 = arith.constant 28928 : i32
    %dma_wait3A_136 = tpu.memref_slice %arg14[%dma_wait3A_135] : memref<57856xf32, #tpu.memory_space<vmem>> -> memref<7232xf32, #tpu.memory_space<vmem>>
    %dma_wait3A_137 = arith.constant 0 : i32
    %dma_wait3A_138 = tpu.memref_slice %arg7[%dma_wait3A_137] : memref<802816xf32, #tpu.memory_space<hbm>> -> memref<7232xf32, #tpu.memory_space<hbm>>
    %dma_wait3A_139 = arith.constant 28928 : i32
    %dma_wait3A_140 = tpu.memref_slice %arg14[%dma_wait3A_139] : memref<57856xf32, #tpu.memory_space<vmem>> -> memref<7232xf32, #tpu.memory_space<vmem>>
    %dma_wait3A_141 = arith.constant 0 : i32
    %dma_wait3A_142 = tpu.memref_slice %arg7[%dma_wait3A_141] : memref<802816xf32, #tpu.memory_space<hbm>> -> memref<7232xf32, #tpu.memory_space<hbm>>
    tpu.wait_dma2 semaphore(%arg15 : memref<!tpu.dma_semaphore, #tpu.memory_space<semaphore_mem>>) src(%dma_wait3A_142 : memref<7232xf32, #tpu.memory_space<hbm>>) dst(%dma_wait3A_140 : memref<7232xf32, #tpu.memory_space<vmem>>)
    %dma_wait3A_143 = arith.constant 36160 : i32
    %dma_wait3A_144 = tpu.memref_slice %arg14[%dma_wait3A_143] : memref<57856xf32, #tpu.memory_space<vmem>> -> memref<7232xf32, #tpu.memory_space<vmem>>
    %dma_wait3A_145 = arith.constant 0 : i32
    %dma_wait3A_146 = tpu.memref_slice %arg8[%dma_wait3A_145] : memref<802816xf32, #tpu.memory_space<hbm>> -> memref<7232xf32, #tpu.memory_space<hbm>>
    %dma_wait3A_147 = arith.constant 36160 : i32
    %dma_wait3A_148 = tpu.memref_slice %arg14[%dma_wait3A_147] : memref<57856xf32, #tpu.memory_space<vmem>> -> memref<7232xf32, #tpu.memory_space<vmem>>
    %dma_wait3A_149 = arith.constant 0 : i32
    %dma_wait3A_150 = tpu.memref_slice %arg8[%dma_wait3A_149] : memref<802816xf32, #tpu.memory_space<hbm>> -> memref<7232xf32, #tpu.memory_space<hbm>>
    tpu.wait_dma2 semaphore(%arg15 : memref<!tpu.dma_semaphore, #tpu.memory_space<semaphore_mem>>) src(%dma_wait3A_150 : memref<7232xf32, #tpu.memory_space<hbm>>) dst(%dma_wait3A_148 : memref<7232xf32, #tpu.memory_space<vmem>>)
    %dma_wait3A_151 = arith.constant 43392 : i32
    %dma_wait3A_152 = tpu.memref_slice %arg14[%dma_wait3A_151] : memref<57856xf32, #tpu.memory_space<vmem>> -> memref<7232xf32, #tpu.memory_space<vmem>>
    %dma_wait3A_153 = arith.constant 0 : i32
    %dma_wait3A_154 = tpu.memref_slice %arg9[%dma_wait3A_153] : memref<802816xf32, #tpu.memory_space<hbm>> -> memref<7232xf32, #tpu.memory_space<hbm>>
    %dma_wait3A_155 = arith.constant 43392 : i32
    %dma_wait3A_156 = tpu.memref_slice %arg14[%dma_wait3A_155] : memref<57856xf32, #tpu.memory_space<vmem>> -> memref<7232xf32, #tpu.memory_space<vmem>>
    %dma_wait3A_157 = arith.constant 0 : i32
    %dma_wait3A_158 = tpu.memref_slice %arg9[%dma_wait3A_157] : memref<802816xf32, #tpu.memory_space<hbm>> -> memref<7232xf32, #tpu.memory_space<hbm>>
    tpu.wait_dma2 semaphore(%arg15 : memref<!tpu.dma_semaphore, #tpu.memory_space<semaphore_mem>>) src(%dma_wait3A_158 : memref<7232xf32, #tpu.memory_space<hbm>>) dst(%dma_wait3A_156 : memref<7232xf32, #tpu.memory_space<vmem>>)
    %dma_wait3A_159 = arith.constant 50624 : i32
    %dma_wait3A_160 = tpu.memref_slice %arg14[%dma_wait3A_159] : memref<57856xf32, #tpu.memory_space<vmem>> -> memref<7232xf32, #tpu.memory_space<vmem>>
    %dma_wait3A_161 = arith.constant 0 : i32
    %dma_wait3A_162 = tpu.memref_slice %arg10[%dma_wait3A_161] : memref<802816xf32, #tpu.memory_space<hbm>> -> memref<7232xf32, #tpu.memory_space<hbm>>
    %dma_wait3A_163 = arith.constant 50624 : i32
    %dma_wait3A_164 = tpu.memref_slice %arg14[%dma_wait3A_163] : memref<57856xf32, #tpu.memory_space<vmem>> -> memref<7232xf32, #tpu.memory_space<vmem>>
    %dma_wait3A_165 = arith.constant 0 : i32
    %dma_wait3A_166 = tpu.memref_slice %arg10[%dma_wait3A_165] : memref<802816xf32, #tpu.memory_space<hbm>> -> memref<7232xf32, #tpu.memory_space<hbm>>
    tpu.wait_dma2 semaphore(%arg15 : memref<!tpu.dma_semaphore, #tpu.memory_space<semaphore_mem>>) src(%dma_wait3A_166 : memref<7232xf32, #tpu.memory_space<hbm>>) dst(%dma_wait3A_164 : memref<7232xf32, #tpu.memory_space<vmem>>)
    %mul3A_167 = arith.constant 921600 : i32
    %mul3A_168 = arith.muli %select_n3A, %mul3A_167 : i32
    %add3A_169 = arith.constant 0 : i32
    %add3A_170 = arith.addi %mul3A_168, %add3A_169 : i32
    %add3A_171 = arith.addi %add3A_170, %mul3A_32 : i32
    %add3A_172 = arith.constant 0 : i32
    %add3A_173 = arith.addi %add3A_171, %add3A_172 : i32
    "tpu.region"() ({
      %run_scoped3A = tpu.sem_alloc : memref<!tpu.dma_semaphore, #tpu.memory_space<semaphore_mem>>
      %dma_start3A = arith.constant 0 : i32
      %dma_start3A_399 = tpu.memref_slice %arg14[%dma_start3A] : memref<57856xf32, #tpu.memory_space<vmem>> -> memref<7232xf32, #tpu.memory_space<vmem>>
      %dma_start3A_400 = tpu.memref_slice %arg11[%add3A_173] : memref<3686400xf32, #tpu.memory_space<hbm>> -> memref<7232xf32, #tpu.memory_space<hbm>>
      %dma_start3A_401 = tpu.memref_slice %arg11[%add3A_173] : memref<3686400xf32, #tpu.memory_space<hbm>> -> memref<7232xf32, #tpu.memory_space<hbm>>
      %dma_start3A_402 = arith.constant 0 : i32
      %dma_start3A_403 = tpu.memref_slice %arg14[%dma_start3A_402] : memref<57856xf32, #tpu.memory_space<vmem>> -> memref<7232xf32, #tpu.memory_space<vmem>>
      tpu.enqueue_dma source(%dma_start3A_403 : memref<7232xf32, #tpu.memory_space<vmem>>) target(%dma_start3A_401 : memref<7232xf32, #tpu.memory_space<hbm>>) target_semaphore(%run_scoped3A : memref<!tpu.dma_semaphore, #tpu.memory_space<semaphore_mem>>)
      %dma_wait3A_404 = arith.constant 0 : i32
      %dma_wait3A_405 = tpu.memref_slice %arg14[%dma_wait3A_404] : memref<57856xf32, #tpu.memory_space<vmem>> -> memref<7232xf32, #tpu.memory_space<vmem>>
      %dma_wait3A_406 = tpu.memref_slice %arg11[%add3A_173] : memref<3686400xf32, #tpu.memory_space<hbm>> -> memref<7232xf32, #tpu.memory_space<hbm>>
      %dma_wait3A_407 = tpu.memref_slice %arg11[%add3A_173] : memref<3686400xf32, #tpu.memory_space<hbm>> -> memref<7232xf32, #tpu.memory_space<hbm>>
      %dma_wait3A_408 = arith.constant 0 : i32
      %dma_wait3A_409 = tpu.memref_slice %arg14[%dma_wait3A_408] : memref<57856xf32, #tpu.memory_space<vmem>> -> memref<7232xf32, #tpu.memory_space<vmem>>
      tpu.wait_dma2 semaphore(%run_scoped3A : memref<!tpu.dma_semaphore, #tpu.memory_space<semaphore_mem>>) src(%dma_wait3A_409 : memref<7232xf32, #tpu.memory_space<vmem>>) dst(%dma_wait3A_407 : memref<7232xf32, #tpu.memory_space<hbm>>)
      tpu.yield
    }) : () -> ()
    %mul3A_174 = arith.constant 921600 : i32
    %mul3A_175 = arith.muli %select_n3A, %mul3A_174 : i32
    %add3A_176 = arith.constant 115200 : i32
    %add3A_177 = arith.addi %mul3A_175, %add3A_176 : i32
    %add3A_178 = arith.addi %add3A_177, %mul3A_32 : i32
    %add3A_179 = arith.constant 0 : i32
    %add3A_180 = arith.addi %add3A_178, %add3A_179 : i32
    "tpu.region"() ({
      %run_scoped3A = tpu.sem_alloc : memref<!tpu.dma_semaphore, #tpu.memory_space<semaphore_mem>>
      %dma_start3A = arith.constant 7232 : i32
      %dma_start3A_399 = tpu.memref_slice %arg14[%dma_start3A] : memref<57856xf32, #tpu.memory_space<vmem>> -> memref<7232xf32, #tpu.memory_space<vmem>>
      %dma_start3A_400 = tpu.memref_slice %arg11[%add3A_180] : memref<3686400xf32, #tpu.memory_space<hbm>> -> memref<7232xf32, #tpu.memory_space<hbm>>
      %dma_start3A_401 = tpu.memref_slice %arg11[%add3A_180] : memref<3686400xf32, #tpu.memory_space<hbm>> -> memref<7232xf32, #tpu.memory_space<hbm>>
      %dma_start3A_402 = arith.constant 7232 : i32
      %dma_start3A_403 = tpu.memref_slice %arg14[%dma_start3A_402] : memref<57856xf32, #tpu.memory_space<vmem>> -> memref<7232xf32, #tpu.memory_space<vmem>>
      tpu.enqueue_dma source(%dma_start3A_403 : memref<7232xf32, #tpu.memory_space<vmem>>) target(%dma_start3A_401 : memref<7232xf32, #tpu.memory_space<hbm>>) target_semaphore(%run_scoped3A : memref<!tpu.dma_semaphore, #tpu.memory_space<semaphore_mem>>)
      %dma_wait3A_404 = arith.constant 7232 : i32
      %dma_wait3A_405 = tpu.memref_slice %arg14[%dma_wait3A_404] : memref<57856xf32, #tpu.memory_space<vmem>> -> memref<7232xf32, #tpu.memory_space<vmem>>
      %dma_wait3A_406 = tpu.memref_slice %arg11[%add3A_180] : memref<3686400xf32, #tpu.memory_space<hbm>> -> memref<7232xf32, #tpu.memory_space<hbm>>
      %dma_wait3A_407 = tpu.memref_slice %arg11[%add3A_180] : memref<3686400xf32, #tpu.memory_space<hbm>> -> memref<7232xf32, #tpu.memory_space<hbm>>
      %dma_wait3A_408 = arith.constant 7232 : i32
      %dma_wait3A_409 = tpu.memref_slice %arg14[%dma_wait3A_408] : memref<57856xf32, #tpu.memory_space<vmem>> -> memref<7232xf32, #tpu.memory_space<vmem>>
      tpu.wait_dma2 semaphore(%run_scoped3A : memref<!tpu.dma_semaphore, #tpu.memory_space<semaphore_mem>>) src(%dma_wait3A_409 : memref<7232xf32, #tpu.memory_space<vmem>>) dst(%dma_wait3A_407 : memref<7232xf32, #tpu.memory_space<hbm>>)
      tpu.yield
    }) : () -> ()
    %mul3A_181 = arith.constant 921600 : i32
    %mul3A_182 = arith.muli %select_n3A, %mul3A_181 : i32
    %add3A_183 = arith.constant 230400 : i32
    %add3A_184 = arith.addi %mul3A_182, %add3A_183 : i32
    %add3A_185 = arith.addi %add3A_184, %mul3A_32 : i32
    %add3A_186 = arith.constant 0 : i32
    %add3A_187 = arith.addi %add3A_185, %add3A_186 : i32
    "tpu.region"() ({
      %run_scoped3A = tpu.sem_alloc : memref<!tpu.dma_semaphore, #tpu.memory_space<semaphore_mem>>
      %dma_start3A = arith.constant 14464 : i32
      %dma_start3A_399 = tpu.memref_slice %arg14[%dma_start3A] : memref<57856xf32, #tpu.memory_space<vmem>> -> memref<7232xf32, #tpu.memory_space<vmem>>
      %dma_start3A_400 = tpu.memref_slice %arg11[%add3A_187] : memref<3686400xf32, #tpu.memory_space<hbm>> -> memref<7232xf32, #tpu.memory_space<hbm>>
      %dma_start3A_401 = tpu.memref_slice %arg11[%add3A_187] : memref<3686400xf32, #tpu.memory_space<hbm>> -> memref<7232xf32, #tpu.memory_space<hbm>>
      %dma_start3A_402 = arith.constant 14464 : i32
      %dma_start3A_403 = tpu.memref_slice %arg14[%dma_start3A_402] : memref<57856xf32, #tpu.memory_space<vmem>> -> memref<7232xf32, #tpu.memory_space<vmem>>
      tpu.enqueue_dma source(%dma_start3A_403 : memref<7232xf32, #tpu.memory_space<vmem>>) target(%dma_start3A_401 : memref<7232xf32, #tpu.memory_space<hbm>>) target_semaphore(%run_scoped3A : memref<!tpu.dma_semaphore, #tpu.memory_space<semaphore_mem>>)
      %dma_wait3A_404 = arith.constant 14464 : i32
      %dma_wait3A_405 = tpu.memref_slice %arg14[%dma_wait3A_404] : memref<57856xf32, #tpu.memory_space<vmem>> -> memref<7232xf32, #tpu.memory_space<vmem>>
      %dma_wait3A_406 = tpu.memref_slice %arg11[%add3A_187] : memref<3686400xf32, #tpu.memory_space<hbm>> -> memref<7232xf32, #tpu.memory_space<hbm>>
      %dma_wait3A_407 = tpu.memref_slice %arg11[%add3A_187] : memref<3686400xf32, #tpu.memory_space<hbm>> -> memref<7232xf32, #tpu.memory_space<hbm>>
      %dma_wait3A_408 = arith.constant 14464 : i32
      %dma_wait3A_409 = tpu.memref_slice %arg14[%dma_wait3A_408] : memref<57856xf32, #tpu.memory_space<vmem>> -> memref<7232xf32, #tpu.memory_space<vmem>>
      tpu.wait_dma2 semaphore(%run_scoped3A : memref<!tpu.dma_semaphore, #tpu.memory_space<semaphore_mem>>) src(%dma_wait3A_409 : memref<7232xf32, #tpu.memory_space<vmem>>) dst(%dma_wait3A_407 : memref<7232xf32, #tpu.memory_space<hbm>>)
      tpu.yield
    }) : () -> ()
    %mul3A_188 = arith.constant 921600 : i32
    %mul3A_189 = arith.muli %select_n3A, %mul3A_188 : i32
    %add3A_190 = arith.constant 345600 : i32
    %add3A_191 = arith.addi %mul3A_189, %add3A_190 : i32
    %add3A_192 = arith.addi %add3A_191, %mul3A_32 : i32
    %add3A_193 = arith.constant 0 : i32
    %add3A_194 = arith.addi %add3A_192, %add3A_193 : i32
    "tpu.region"() ({
      %run_scoped3A = tpu.sem_alloc : memref<!tpu.dma_semaphore, #tpu.memory_space<semaphore_mem>>
      %dma_start3A = arith.constant 21696 : i32
      %dma_start3A_399 = tpu.memref_slice %arg14[%dma_start3A] : memref<57856xf32, #tpu.memory_space<vmem>> -> memref<7232xf32, #tpu.memory_space<vmem>>
      %dma_start3A_400 = tpu.memref_slice %arg11[%add3A_194] : memref<3686400xf32, #tpu.memory_space<hbm>> -> memref<7232xf32, #tpu.memory_space<hbm>>
      %dma_start3A_401 = tpu.memref_slice %arg11[%add3A_194] : memref<3686400xf32, #tpu.memory_space<hbm>> -> memref<7232xf32, #tpu.memory_space<hbm>>
      %dma_start3A_402 = arith.constant 21696 : i32
      %dma_start3A_403 = tpu.memref_slice %arg14[%dma_start3A_402] : memref<57856xf32, #tpu.memory_space<vmem>> -> memref<7232xf32, #tpu.memory_space<vmem>>
      tpu.enqueue_dma source(%dma_start3A_403 : memref<7232xf32, #tpu.memory_space<vmem>>) target(%dma_start3A_401 : memref<7232xf32, #tpu.memory_space<hbm>>) target_semaphore(%run_scoped3A : memref<!tpu.dma_semaphore, #tpu.memory_space<semaphore_mem>>)
      %dma_wait3A_404 = arith.constant 21696 : i32
      %dma_wait3A_405 = tpu.memref_slice %arg14[%dma_wait3A_404] : memref<57856xf32, #tpu.memory_space<vmem>> -> memref<7232xf32, #tpu.memory_space<vmem>>
      %dma_wait3A_406 = tpu.memref_slice %arg11[%add3A_194] : memref<3686400xf32, #tpu.memory_space<hbm>> -> memref<7232xf32, #tpu.memory_space<hbm>>
      %dma_wait3A_407 = tpu.memref_slice %arg11[%add3A_194] : memref<3686400xf32, #tpu.memory_space<hbm>> -> memref<7232xf32, #tpu.memory_space<hbm>>
      %dma_wait3A_408 = arith.constant 21696 : i32
      %dma_wait3A_409 = tpu.memref_slice %arg14[%dma_wait3A_408] : memref<57856xf32, #tpu.memory_space<vmem>> -> memref<7232xf32, #tpu.memory_space<vmem>>
      tpu.wait_dma2 semaphore(%run_scoped3A : memref<!tpu.dma_semaphore, #tpu.memory_space<semaphore_mem>>) src(%dma_wait3A_409 : memref<7232xf32, #tpu.memory_space<vmem>>) dst(%dma_wait3A_407 : memref<7232xf32, #tpu.memory_space<hbm>>)
      tpu.yield
    }) : () -> ()
    %mul3A_195 = arith.constant 921600 : i32
    %mul3A_196 = arith.muli %select_n3A, %mul3A_195 : i32
    %add3A_197 = arith.constant 460800 : i32
    %add3A_198 = arith.addi %mul3A_196, %add3A_197 : i32
    %add3A_199 = arith.addi %add3A_198, %mul3A_32 : i32
    %add3A_200 = arith.constant 0 : i32
    %add3A_201 = arith.addi %add3A_199, %add3A_200 : i32
    "tpu.region"() ({
      %run_scoped3A = tpu.sem_alloc : memref<!tpu.dma_semaphore, #tpu.memory_space<semaphore_mem>>
      %dma_start3A = arith.constant 28928 : i32
      %dma_start3A_399 = tpu.memref_slice %arg14[%dma_start3A] : memref<57856xf32, #tpu.memory_space<vmem>> -> memref<7232xf32, #tpu.memory_space<vmem>>
      %dma_start3A_400 = tpu.memref_slice %arg11[%add3A_201] : memref<3686400xf32, #tpu.memory_space<hbm>> -> memref<7232xf32, #tpu.memory_space<hbm>>
      %dma_start3A_401 = tpu.memref_slice %arg11[%add3A_201] : memref<3686400xf32, #tpu.memory_space<hbm>> -> memref<7232xf32, #tpu.memory_space<hbm>>
      %dma_start3A_402 = arith.constant 28928 : i32
      %dma_start3A_403 = tpu.memref_slice %arg14[%dma_start3A_402] : memref<57856xf32, #tpu.memory_space<vmem>> -> memref<7232xf32, #tpu.memory_space<vmem>>
      tpu.enqueue_dma source(%dma_start3A_403 : memref<7232xf32, #tpu.memory_space<vmem>>) target(%dma_start3A_401 : memref<7232xf32, #tpu.memory_space<hbm>>) target_semaphore(%run_scoped3A : memref<!tpu.dma_semaphore, #tpu.memory_space<semaphore_mem>>)
      %dma_wait3A_404 = arith.constant 28928 : i32
      %dma_wait3A_405 = tpu.memref_slice %arg14[%dma_wait3A_404] : memref<57856xf32, #tpu.memory_space<vmem>> -> memref<7232xf32, #tpu.memory_space<vmem>>
      %dma_wait3A_406 = tpu.memref_slice %arg11[%add3A_201] : memref<3686400xf32, #tpu.memory_space<hbm>> -> memref<7232xf32, #tpu.memory_space<hbm>>
      %dma_wait3A_407 = tpu.memref_slice %arg11[%add3A_201] : memref<3686400xf32, #tpu.memory_space<hbm>> -> memref<7232xf32, #tpu.memory_space<hbm>>
      %dma_wait3A_408 = arith.constant 28928 : i32
      %dma_wait3A_409 = tpu.memref_slice %arg14[%dma_wait3A_408] : memref<57856xf32, #tpu.memory_space<vmem>> -> memref<7232xf32, #tpu.memory_space<vmem>>
      tpu.wait_dma2 semaphore(%run_scoped3A : memref<!tpu.dma_semaphore, #tpu.memory_space<semaphore_mem>>) src(%dma_wait3A_409 : memref<7232xf32, #tpu.memory_space<vmem>>) dst(%dma_wait3A_407 : memref<7232xf32, #tpu.memory_space<hbm>>)
      tpu.yield
    }) : () -> ()
    %mul3A_202 = arith.constant 921600 : i32
    %mul3A_203 = arith.muli %select_n3A, %mul3A_202 : i32
    %add3A_204 = arith.constant 576000 : i32
    %add3A_205 = arith.addi %mul3A_203, %add3A_204 : i32
    %add3A_206 = arith.addi %add3A_205, %mul3A_32 : i32
    %add3A_207 = arith.constant 0 : i32
    %add3A_208 = arith.addi %add3A_206, %add3A_207 : i32
    "tpu.region"() ({
      %run_scoped3A = tpu.sem_alloc : memref<!tpu.dma_semaphore, #tpu.memory_space<semaphore_mem>>
      %dma_start3A = arith.constant 36160 : i32
      %dma_start3A_399 = tpu.memref_slice %arg14[%dma_start3A] : memref<57856xf32, #tpu.memory_space<vmem>> -> memref<7232xf32, #tpu.memory_space<vmem>>
      %dma_start3A_400 = tpu.memref_slice %arg11[%add3A_208] : memref<3686400xf32, #tpu.memory_space<hbm>> -> memref<7232xf32, #tpu.memory_space<hbm>>
      %dma_start3A_401 = tpu.memref_slice %arg11[%add3A_208] : memref<3686400xf32, #tpu.memory_space<hbm>> -> memref<7232xf32, #tpu.memory_space<hbm>>
      %dma_start3A_402 = arith.constant 36160 : i32
      %dma_start3A_403 = tpu.memref_slice %arg14[%dma_start3A_402] : memref<57856xf32, #tpu.memory_space<vmem>> -> memref<7232xf32, #tpu.memory_space<vmem>>
      tpu.enqueue_dma source(%dma_start3A_403 : memref<7232xf32, #tpu.memory_space<vmem>>) target(%dma_start3A_401 : memref<7232xf32, #tpu.memory_space<hbm>>) target_semaphore(%run_scoped3A : memref<!tpu.dma_semaphore, #tpu.memory_space<semaphore_mem>>)
      %dma_wait3A_404 = arith.constant 36160 : i32
      %dma_wait3A_405 = tpu.memref_slice %arg14[%dma_wait3A_404] : memref<57856xf32, #tpu.memory_space<vmem>> -> memref<7232xf32, #tpu.memory_space<vmem>>
      %dma_wait3A_406 = tpu.memref_slice %arg11[%add3A_208] : memref<3686400xf32, #tpu.memory_space<hbm>> -> memref<7232xf32, #tpu.memory_space<hbm>>
      %dma_wait3A_407 = tpu.memref_slice %arg11[%add3A_208] : memref<3686400xf32, #tpu.memory_space<hbm>> -> memref<7232xf32, #tpu.memory_space<hbm>>
      %dma_wait3A_408 = arith.constant 36160 : i32
      %dma_wait3A_409 = tpu.memref_slice %arg14[%dma_wait3A_408] : memref<57856xf32, #tpu.memory_space<vmem>> -> memref<7232xf32, #tpu.memory_space<vmem>>
      tpu.wait_dma2 semaphore(%run_scoped3A : memref<!tpu.dma_semaphore, #tpu.memory_space<semaphore_mem>>) src(%dma_wait3A_409 : memref<7232xf32, #tpu.memory_space<vmem>>) dst(%dma_wait3A_407 : memref<7232xf32, #tpu.memory_space<hbm>>)
      tpu.yield
    }) : () -> ()
    %mul3A_209 = arith.constant 921600 : i32
    %mul3A_210 = arith.muli %select_n3A, %mul3A_209 : i32
    %add3A_211 = arith.constant 691200 : i32
    %add3A_212 = arith.addi %mul3A_210, %add3A_211 : i32
    %add3A_213 = arith.addi %add3A_212, %mul3A_32 : i32
    %add3A_214 = arith.constant 0 : i32
    %add3A_215 = arith.addi %add3A_213, %add3A_214 : i32
    "tpu.region"() ({
      %run_scoped3A = tpu.sem_alloc : memref<!tpu.dma_semaphore, #tpu.memory_space<semaphore_mem>>
      %dma_start3A = arith.constant 43392 : i32
      %dma_start3A_399 = tpu.memref_slice %arg14[%dma_start3A] : memref<57856xf32, #tpu.memory_space<vmem>> -> memref<7232xf32, #tpu.memory_space<vmem>>
      %dma_start3A_400 = tpu.memref_slice %arg11[%add3A_215] : memref<3686400xf32, #tpu.memory_space<hbm>> -> memref<7232xf32, #tpu.memory_space<hbm>>
      %dma_start3A_401 = tpu.memref_slice %arg11[%add3A_215] : memref<3686400xf32, #tpu.memory_space<hbm>> -> memref<7232xf32, #tpu.memory_space<hbm>>
      %dma_start3A_402 = arith.constant 43392 : i32
      %dma_start3A_403 = tpu.memref_slice %arg14[%dma_start3A_402] : memref<57856xf32, #tpu.memory_space<vmem>> -> memref<7232xf32, #tpu.memory_space<vmem>>
      tpu.enqueue_dma source(%dma_start3A_403 : memref<7232xf32, #tpu.memory_space<vmem>>) target(%dma_start3A_401 : memref<7232xf32, #tpu.memory_space<hbm>>) target_semaphore(%run_scoped3A : memref<!tpu.dma_semaphore, #tpu.memory_space<semaphore_mem>>)
      %dma_wait3A_404 = arith.constant 43392 : i32
      %dma_wait3A_405 = tpu.memref_slice %arg14[%dma_wait3A_404] : memref<57856xf32, #tpu.memory_space<vmem>> -> memref<7232xf32, #tpu.memory_space<vmem>>
      %dma_wait3A_406 = tpu.memref_slice %arg11[%add3A_215] : memref<3686400xf32, #tpu.memory_space<hbm>> -> memref<7232xf32, #tpu.memory_space<hbm>>
      %dma_wait3A_407 = tpu.memref_slice %arg11[%add3A_215] : memref<3686400xf32, #tpu.memory_space<hbm>> -> memref<7232xf32, #tpu.memory_space<hbm>>
      %dma_wait3A_408 = arith.constant 43392 : i32
      %dma_wait3A_409 = tpu.memref_slice %arg14[%dma_wait3A_408] : memref<57856xf32, #tpu.memory_space<vmem>> -> memref<7232xf32, #tpu.memory_space<vmem>>
      tpu.wait_dma2 semaphore(%run_scoped3A : memref<!tpu.dma_semaphore, #tpu.memory_space<semaphore_mem>>) src(%dma_wait3A_409 : memref<7232xf32, #tpu.memory_space<vmem>>) dst(%dma_wait3A_407 : memref<7232xf32, #tpu.memory_space<hbm>>)
      tpu.yield
    }) : () -> ()
    %mul3A_216 = arith.constant 921600 : i32
    %mul3A_217 = arith.muli %select_n3A, %mul3A_216 : i32
    %add3A_218 = arith.constant 806400 : i32
    %add3A_219 = arith.addi %mul3A_217, %add3A_218 : i32
    %add3A_220 = arith.addi %add3A_219, %mul3A_32 : i32
    %add3A_221 = arith.constant 0 : i32
    %add3A_222 = arith.addi %add3A_220, %add3A_221 : i32
    "tpu.region"() ({
      %run_scoped3A = tpu.sem_alloc : memref<!tpu.dma_semaphore, #tpu.memory_space<semaphore_mem>>
      %dma_start3A = arith.constant 50624 : i32
      %dma_start3A_399 = tpu.memref_slice %arg14[%dma_start3A] : memref<57856xf32, #tpu.memory_space<vmem>> -> memref<7232xf32, #tpu.memory_space<vmem>>
      %dma_start3A_400 = tpu.memref_slice %arg11[%add3A_222] : memref<3686400xf32, #tpu.memory_space<hbm>> -> memref<7232xf32, #tpu.memory_space<hbm>>
      %dma_start3A_401 = tpu.memref_slice %arg11[%add3A_222] : memref<3686400xf32, #tpu.memory_space<hbm>> -> memref<7232xf32, #tpu.memory_space<hbm>>
      %dma_start3A_402 = arith.constant 50624 : i32
      %dma_start3A_403 = tpu.memref_slice %arg14[%dma_start3A_402] : memref<57856xf32, #tpu.memory_space<vmem>> -> memref<7232xf32, #tpu.memory_space<vmem>>
      tpu.enqueue_dma source(%dma_start3A_403 : memref<7232xf32, #tpu.memory_space<vmem>>) target(%dma_start3A_401 : memref<7232xf32, #tpu.memory_space<hbm>>) target_semaphore(%run_scoped3A : memref<!tpu.dma_semaphore, #tpu.memory_space<semaphore_mem>>)
      %dma_wait3A_404 = arith.constant 50624 : i32
      %dma_wait3A_405 = tpu.memref_slice %arg14[%dma_wait3A_404] : memref<57856xf32, #tpu.memory_space<vmem>> -> memref<7232xf32, #tpu.memory_space<vmem>>
      %dma_wait3A_406 = tpu.memref_slice %arg11[%add3A_222] : memref<3686400xf32, #tpu.memory_space<hbm>> -> memref<7232xf32, #tpu.memory_space<hbm>>
      %dma_wait3A_407 = tpu.memref_slice %arg11[%add3A_222] : memref<3686400xf32, #tpu.memory_space<hbm>> -> memref<7232xf32, #tpu.memory_space<hbm>>
      %dma_wait3A_408 = arith.constant 50624 : i32
      %dma_wait3A_409 = tpu.memref_slice %arg14[%dma_wait3A_408] : memref<57856xf32, #tpu.memory_space<vmem>> -> memref<7232xf32, #tpu.memory_space<vmem>>
      tpu.wait_dma2 semaphore(%run_scoped3A : memref<!tpu.dma_semaphore, #tpu.memory_space<semaphore_mem>>) src(%dma_wait3A_409 : memref<7232xf32, #tpu.memory_space<vmem>>) dst(%dma_wait3A_407 : memref<7232xf32, #tpu.memory_space<hbm>>)
      tpu.yield
    }) : () -> ()
    %scan3A_223 = arith.constant 0 : i32
    %scan3A_224 = arith.constant 0 : i32
    %scan3A_225 = arith.constant 112 : i32
    %scan3A_226 = arith.addi %scan3A_224, %scan3A_225 : i32
    %scan3A_227 = arith.constant 1 : i32
    %scan3A_228 = scf.for %scan3A_399 = %scan3A_224 to %scan3A_226 step %scan3A_227 iter_args(%scan3A_400 = %scan3A_223) -> (i32)  : i32 {
      %add3A_401 = arith.constant 113 : i32
      %add3A_402 = arith.addi %add3A_401, %scan3A_399 : i32
      %mul3A_403 = arith.constant 64 : i32
      %mul3A_404 = arith.muli %scan3A_399, %mul3A_403 : i32
      %add3A_405 = arith.constant 0 : i32
      %add3A_406 = arith.addi %add3A_405, %mul3A_404 : i32
      %dma_start3A = tpu.memref_slice %arg14[%add3A_406] : memref<57856xf32, #tpu.memory_space<vmem>> -> memref<64xf32, #tpu.memory_space<vmem>>
      %dma_start3A_407 = arith.constant 0 : i32
      %dma_start3A_408 = tpu.memref_slice %arg12[%add3A_402, %dma_start3A_407] : memref<225x64xi32, #tpu.memory_space<vmem>> -> memref<1x64xi32, #tpu.memory_space<vmem>>
      %dma_start3A_409 = tpu.memref_squeeze %dma_start3A_408 : memref<1x64xi32, #tpu.memory_space<vmem>> -> memref<64xi32, #tpu.memory_space<vmem>>
      %dma_start3A_410 = arith.constant 0 : i32
      %dma_start3A_411 = tpu.memref_slice %arg3[%dma_start3A_410] : memref<802816xf32, #tpu.memory_space<hbm>> -> memref<802816xf32, #tpu.memory_space<hbm>>
      tpu.enqueue_indirect_dma source(%dma_start3A_411 : memref<802816xf32, #tpu.memory_space<hbm>>) target(%dma_start3A : memref<64xf32, #tpu.memory_space<vmem>>) offsets(%dma_start3A_409 : memref<64xi32, #tpu.memory_space<vmem>>) semaphore(%arg15 : memref<!tpu.dma_semaphore, #tpu.memory_space<semaphore_mem>>)
      %scan3A_412 = arith.constant 0 : i32
      scf.yield %scan3A_412 : i32
    }
    %scan3A_229 = arith.constant 112 : i32
    %scan3A_230 = arith.constant 0 : i32
    %scan3A_231 = arith.constant 0 : i32
    %scan3A_232 = arith.constant 112 : i32
    %scan3A_233 = arith.addi %scan3A_231, %scan3A_232 : i32
    %scan3A_234 = arith.constant 1 : i32
    %scan3A_235 = scf.for %scan3A_399 = %scan3A_231 to %scan3A_233 step %scan3A_234 iter_args(%scan3A_400 = %scan3A_230) -> (i32)  : i32 {
      %add3A_401 = arith.constant 113 : i32
      %add3A_402 = arith.addi %add3A_401, %scan3A_399 : i32
      %mul3A_403 = arith.constant 64 : i32
      %mul3A_404 = arith.muli %scan3A_399, %mul3A_403 : i32
      %add3A_405 = arith.constant 7232 : i32
      %add3A_406 = arith.addi %add3A_405, %mul3A_404 : i32
      %dma_start3A = tpu.memref_slice %arg14[%add3A_406] : memref<57856xf32, #tpu.memory_space<vmem>> -> memref<64xf32, #tpu.memory_space<vmem>>
      %dma_start3A_407 = arith.constant 0 : i32
      %dma_start3A_408 = tpu.memref_slice %arg12[%add3A_402, %dma_start3A_407] : memref<225x64xi32, #tpu.memory_space<vmem>> -> memref<1x64xi32, #tpu.memory_space<vmem>>
      %dma_start3A_409 = tpu.memref_squeeze %dma_start3A_408 : memref<1x64xi32, #tpu.memory_space<vmem>> -> memref<64xi32, #tpu.memory_space<vmem>>
      %dma_start3A_410 = arith.constant 0 : i32
      %dma_start3A_411 = tpu.memref_slice %arg4[%dma_start3A_410] : memref<802816xf32, #tpu.memory_space<hbm>> -> memref<802816xf32, #tpu.memory_space<hbm>>
      tpu.enqueue_indirect_dma source(%dma_start3A_411 : memref<802816xf32, #tpu.memory_space<hbm>>) target(%dma_start3A : memref<64xf32, #tpu.memory_space<vmem>>) offsets(%dma_start3A_409 : memref<64xi32, #tpu.memory_space<vmem>>) semaphore(%arg15 : memref<!tpu.dma_semaphore, #tpu.memory_space<semaphore_mem>>)
      %scan3A_412 = arith.constant 0 : i32
      scf.yield %scan3A_412 : i32
    }
    %scan3A_236 = arith.constant 112 : i32
    %scan3A_237 = arith.constant 0 : i32
    %scan3A_238 = arith.constant 0 : i32
    %scan3A_239 = arith.constant 112 : i32
    %scan3A_240 = arith.addi %scan3A_238, %scan3A_239 : i32
    %scan3A_241 = arith.constant 1 : i32
    %scan3A_242 = scf.for %scan3A_399 = %scan3A_238 to %scan3A_240 step %scan3A_241 iter_args(%scan3A_400 = %scan3A_237) -> (i32)  : i32 {
      %add3A_401 = arith.constant 113 : i32
      %add3A_402 = arith.addi %add3A_401, %scan3A_399 : i32
      %mul3A_403 = arith.constant 64 : i32
      %mul3A_404 = arith.muli %scan3A_399, %mul3A_403 : i32
      %add3A_405 = arith.constant 14464 : i32
      %add3A_406 = arith.addi %add3A_405, %mul3A_404 : i32
      %dma_start3A = tpu.memref_slice %arg14[%add3A_406] : memref<57856xf32, #tpu.memory_space<vmem>> -> memref<64xf32, #tpu.memory_space<vmem>>
      %dma_start3A_407 = arith.constant 0 : i32
      %dma_start3A_408 = tpu.memref_slice %arg12[%add3A_402, %dma_start3A_407] : memref<225x64xi32, #tpu.memory_space<vmem>> -> memref<1x64xi32, #tpu.memory_space<vmem>>
      %dma_start3A_409 = tpu.memref_squeeze %dma_start3A_408 : memref<1x64xi32, #tpu.memory_space<vmem>> -> memref<64xi32, #tpu.memory_space<vmem>>
      %dma_start3A_410 = arith.constant 0 : i32
      %dma_start3A_411 = tpu.memref_slice %arg5[%dma_start3A_410] : memref<802816xf32, #tpu.memory_space<hbm>> -> memref<802816xf32, #tpu.memory_space<hbm>>
      tpu.enqueue_indirect_dma source(%dma_start3A_411 : memref<802816xf32, #tpu.memory_space<hbm>>) target(%dma_start3A : memref<64xf32, #tpu.memory_space<vmem>>) offsets(%dma_start3A_409 : memref<64xi32, #tpu.memory_space<vmem>>) semaphore(%arg15 : memref<!tpu.dma_semaphore, #tpu.memory_space<semaphore_mem>>)
      %scan3A_412 = arith.constant 0 : i32
      scf.yield %scan3A_412 : i32
    }
    %scan3A_243 = arith.constant 112 : i32
    %scan3A_244 = arith.constant 0 : i32
    %scan3A_245 = arith.constant 0 : i32
    %scan3A_246 = arith.constant 112 : i32
    %scan3A_247 = arith.addi %scan3A_245, %scan3A_246 : i32
    %scan3A_248 = arith.constant 1 : i32
    %scan3A_249 = scf.for %scan3A_399 = %scan3A_245 to %scan3A_247 step %scan3A_248 iter_args(%scan3A_400 = %scan3A_244) -> (i32)  : i32 {
      %add3A_401 = arith.constant 113 : i32
      %add3A_402 = arith.addi %add3A_401, %scan3A_399 : i32
      %mul3A_403 = arith.constant 64 : i32
      %mul3A_404 = arith.muli %scan3A_399, %mul3A_403 : i32
      %add3A_405 = arith.constant 21696 : i32
      %add3A_406 = arith.addi %add3A_405, %mul3A_404 : i32
      %dma_start3A = tpu.memref_slice %arg14[%add3A_406] : memref<57856xf32, #tpu.memory_space<vmem>> -> memref<64xf32, #tpu.memory_space<vmem>>
      %dma_start3A_407 = arith.constant 0 : i32
      %dma_start3A_408 = tpu.memref_slice %arg12[%add3A_402, %dma_start3A_407] : memref<225x64xi32, #tpu.memory_space<vmem>> -> memref<1x64xi32, #tpu.memory_space<vmem>>
      %dma_start3A_409 = tpu.memref_squeeze %dma_start3A_408 : memref<1x64xi32, #tpu.memory_space<vmem>> -> memref<64xi32, #tpu.memory_space<vmem>>
      %dma_start3A_410 = arith.constant 0 : i32
      %dma_start3A_411 = tpu.memref_slice %arg6[%dma_start3A_410] : memref<802816xf32, #tpu.memory_space<hbm>> -> memref<802816xf32, #tpu.memory_space<hbm>>
      tpu.enqueue_indirect_dma source(%dma_start3A_411 : memref<802816xf32, #tpu.memory_space<hbm>>) target(%dma_start3A : memref<64xf32, #tpu.memory_space<vmem>>) offsets(%dma_start3A_409 : memref<64xi32, #tpu.memory_space<vmem>>) semaphore(%arg15 : memref<!tpu.dma_semaphore, #tpu.memory_space<semaphore_mem>>)
      %scan3A_412 = arith.constant 0 : i32
      scf.yield %scan3A_412 : i32
    }
    %scan3A_250 = arith.constant 112 : i32
    %scan3A_251 = arith.constant 0 : i32
    %scan3A_252 = arith.constant 0 : i32
    %scan3A_253 = arith.constant 112 : i32
    %scan3A_254 = arith.addi %scan3A_252, %scan3A_253 : i32
    %scan3A_255 = arith.constant 1 : i32
    %scan3A_256 = scf.for %scan3A_399 = %scan3A_252 to %scan3A_254 step %scan3A_255 iter_args(%scan3A_400 = %scan3A_251) -> (i32)  : i32 {
      %add3A_401 = arith.constant 113 : i32
      %add3A_402 = arith.addi %add3A_401, %scan3A_399 : i32
      %mul3A_403 = arith.constant 64 : i32
      %mul3A_404 = arith.muli %scan3A_399, %mul3A_403 : i32
      %add3A_405 = arith.constant 28928 : i32
      %add3A_406 = arith.addi %add3A_405, %mul3A_404 : i32
      %dma_start3A = tpu.memref_slice %arg14[%add3A_406] : memref<57856xf32, #tpu.memory_space<vmem>> -> memref<64xf32, #tpu.memory_space<vmem>>
      %dma_start3A_407 = arith.constant 0 : i32
      %dma_start3A_408 = tpu.memref_slice %arg12[%add3A_402, %dma_start3A_407] : memref<225x64xi32, #tpu.memory_space<vmem>> -> memref<1x64xi32, #tpu.memory_space<vmem>>
      %dma_start3A_409 = tpu.memref_squeeze %dma_start3A_408 : memref<1x64xi32, #tpu.memory_space<vmem>> -> memref<64xi32, #tpu.memory_space<vmem>>
      %dma_start3A_410 = arith.constant 0 : i32
      %dma_start3A_411 = tpu.memref_slice %arg7[%dma_start3A_410] : memref<802816xf32, #tpu.memory_space<hbm>> -> memref<802816xf32, #tpu.memory_space<hbm>>
      tpu.enqueue_indirect_dma source(%dma_start3A_411 : memref<802816xf32, #tpu.memory_space<hbm>>) target(%dma_start3A : memref<64xf32, #tpu.memory_space<vmem>>) offsets(%dma_start3A_409 : memref<64xi32, #tpu.memory_space<vmem>>) semaphore(%arg15 : memref<!tpu.dma_semaphore, #tpu.memory_space<semaphore_mem>>)
      %scan3A_412 = arith.constant 0 : i32
      scf.yield %scan3A_412 : i32
    }
    %scan3A_257 = arith.constant 112 : i32
    %scan3A_258 = arith.constant 0 : i32
    %scan3A_259 = arith.constant 0 : i32
    %scan3A_260 = arith.constant 112 : i32
    %scan3A_261 = arith.addi %scan3A_259, %scan3A_260 : i32
    %scan3A_262 = arith.constant 1 : i32
    %scan3A_263 = scf.for %scan3A_399 = %scan3A_259 to %scan3A_261 step %scan3A_262 iter_args(%scan3A_400 = %scan3A_258) -> (i32)  : i32 {
      %add3A_401 = arith.constant 113 : i32
      %add3A_402 = arith.addi %add3A_401, %scan3A_399 : i32
      %mul3A_403 = arith.constant 64 : i32
      %mul3A_404 = arith.muli %scan3A_399, %mul3A_403 : i32
      %add3A_405 = arith.constant 36160 : i32
      %add3A_406 = arith.addi %add3A_405, %mul3A_404 : i32
      %dma_start3A = tpu.memref_slice %arg14[%add3A_406] : memref<57856xf32, #tpu.memory_space<vmem>> -> memref<64xf32, #tpu.memory_space<vmem>>
      %dma_start3A_407 = arith.constant 0 : i32
      %dma_start3A_408 = tpu.memref_slice %arg12[%add3A_402, %dma_start3A_407] : memref<225x64xi32, #tpu.memory_space<vmem>> -> memref<1x64xi32, #tpu.memory_space<vmem>>
      %dma_start3A_409 = tpu.memref_squeeze %dma_start3A_408 : memref<1x64xi32, #tpu.memory_space<vmem>> -> memref<64xi32, #tpu.memory_space<vmem>>
      %dma_start3A_410 = arith.constant 0 : i32
      %dma_start3A_411 = tpu.memref_slice %arg8[%dma_start3A_410] : memref<802816xf32, #tpu.memory_space<hbm>> -> memref<802816xf32, #tpu.memory_space<hbm>>
      tpu.enqueue_indirect_dma source(%dma_start3A_411 : memref<802816xf32, #tpu.memory_space<hbm>>) target(%dma_start3A : memref<64xf32, #tpu.memory_space<vmem>>) offsets(%dma_start3A_409 : memref<64xi32, #tpu.memory_space<vmem>>) semaphore(%arg15 : memref<!tpu.dma_semaphore, #tpu.memory_space<semaphore_mem>>)
      %scan3A_412 = arith.constant 0 : i32
      scf.yield %scan3A_412 : i32
    }
    %scan3A_264 = arith.constant 112 : i32
    %scan3A_265 = arith.constant 0 : i32
    %scan3A_266 = arith.constant 0 : i32
    %scan3A_267 = arith.constant 112 : i32
    %scan3A_268 = arith.addi %scan3A_266, %scan3A_267 : i32
    %scan3A_269 = arith.constant 1 : i32
    %scan3A_270 = scf.for %scan3A_399 = %scan3A_266 to %scan3A_268 step %scan3A_269 iter_args(%scan3A_400 = %scan3A_265) -> (i32)  : i32 {
      %add3A_401 = arith.constant 113 : i32
      %add3A_402 = arith.addi %add3A_401, %scan3A_399 : i32
      %mul3A_403 = arith.constant 64 : i32
      %mul3A_404 = arith.muli %scan3A_399, %mul3A_403 : i32
      %add3A_405 = arith.constant 43392 : i32
      %add3A_406 = arith.addi %add3A_405, %mul3A_404 : i32
      %dma_start3A = tpu.memref_slice %arg14[%add3A_406] : memref<57856xf32, #tpu.memory_space<vmem>> -> memref<64xf32, #tpu.memory_space<vmem>>
      %dma_start3A_407 = arith.constant 0 : i32
      %dma_start3A_408 = tpu.memref_slice %arg12[%add3A_402, %dma_start3A_407] : memref<225x64xi32, #tpu.memory_space<vmem>> -> memref<1x64xi32, #tpu.memory_space<vmem>>
      %dma_start3A_409 = tpu.memref_squeeze %dma_start3A_408 : memref<1x64xi32, #tpu.memory_space<vmem>> -> memref<64xi32, #tpu.memory_space<vmem>>
      %dma_start3A_410 = arith.constant 0 : i32
      %dma_start3A_411 = tpu.memref_slice %arg9[%dma_start3A_410] : memref<802816xf32, #tpu.memory_space<hbm>> -> memref<802816xf32, #tpu.memory_space<hbm>>
      tpu.enqueue_indirect_dma source(%dma_start3A_411 : memref<802816xf32, #tpu.memory_space<hbm>>) target(%dma_start3A : memref<64xf32, #tpu.memory_space<vmem>>) offsets(%dma_start3A_409 : memref<64xi32, #tpu.memory_space<vmem>>) semaphore(%arg15 : memref<!tpu.dma_semaphore, #tpu.memory_space<semaphore_mem>>)
      %scan3A_412 = arith.constant 0 : i32
      scf.yield %scan3A_412 : i32
    }
    %scan3A_271 = arith.constant 112 : i32
    %scan3A_272 = arith.constant 0 : i32
    %scan3A_273 = arith.constant 0 : i32
    %scan3A_274 = arith.constant 112 : i32
    %scan3A_275 = arith.addi %scan3A_273, %scan3A_274 : i32
    %scan3A_276 = arith.constant 1 : i32
    %scan3A_277 = scf.for %scan3A_399 = %scan3A_273 to %scan3A_275 step %scan3A_276 iter_args(%scan3A_400 = %scan3A_272) -> (i32)  : i32 {
      %add3A_401 = arith.constant 113 : i32
      %add3A_402 = arith.addi %add3A_401, %scan3A_399 : i32
      %mul3A_403 = arith.constant 64 : i32
      %mul3A_404 = arith.muli %scan3A_399, %mul3A_403 : i32
      %add3A_405 = arith.constant 50624 : i32
      %add3A_406 = arith.addi %add3A_405, %mul3A_404 : i32
      %dma_start3A = tpu.memref_slice %arg14[%add3A_406] : memref<57856xf32, #tpu.memory_space<vmem>> -> memref<64xf32, #tpu.memory_space<vmem>>
      %dma_start3A_407 = arith.constant 0 : i32
      %dma_start3A_408 = tpu.memref_slice %arg12[%add3A_402, %dma_start3A_407] : memref<225x64xi32, #tpu.memory_space<vmem>> -> memref<1x64xi32, #tpu.memory_space<vmem>>
      %dma_start3A_409 = tpu.memref_squeeze %dma_start3A_408 : memref<1x64xi32, #tpu.memory_space<vmem>> -> memref<64xi32, #tpu.memory_space<vmem>>
      %dma_start3A_410 = arith.constant 0 : i32
      %dma_start3A_411 = tpu.memref_slice %arg10[%dma_start3A_410] : memref<802816xf32, #tpu.memory_space<hbm>> -> memref<802816xf32, #tpu.memory_space<hbm>>
      tpu.enqueue_indirect_dma source(%dma_start3A_411 : memref<802816xf32, #tpu.memory_space<hbm>>) target(%dma_start3A : memref<64xf32, #tpu.memory_space<vmem>>) offsets(%dma_start3A_409 : memref<64xi32, #tpu.memory_space<vmem>>) semaphore(%arg15 : memref<!tpu.dma_semaphore, #tpu.memory_space<semaphore_mem>>)
      %scan3A_412 = arith.constant 0 : i32
      scf.yield %scan3A_412 : i32
    }
    %scan3A_278 = arith.constant 112 : i32
    %dma_wait3A_279 = arith.constant 0 : i32
    %dma_wait3A_280 = tpu.memref_slice %arg14[%dma_wait3A_279] : memref<57856xf32, #tpu.memory_space<vmem>> -> memref<7168xf32, #tpu.memory_space<vmem>>
    %dma_wait3A_281 = arith.constant 0 : i32
    %dma_wait3A_282 = tpu.memref_slice %arg3[%dma_wait3A_281] : memref<802816xf32, #tpu.memory_space<hbm>> -> memref<7168xf32, #tpu.memory_space<hbm>>
    %dma_wait3A_283 = arith.constant 0 : i32
    %dma_wait3A_284 = tpu.memref_slice %arg14[%dma_wait3A_283] : memref<57856xf32, #tpu.memory_space<vmem>> -> memref<7168xf32, #tpu.memory_space<vmem>>
    %dma_wait3A_285 = arith.constant 0 : i32
    %dma_wait3A_286 = tpu.memref_slice %arg3[%dma_wait3A_285] : memref<802816xf32, #tpu.memory_space<hbm>> -> memref<7168xf32, #tpu.memory_space<hbm>>
    tpu.wait_dma2 semaphore(%arg15 : memref<!tpu.dma_semaphore, #tpu.memory_space<semaphore_mem>>) src(%dma_wait3A_286 : memref<7168xf32, #tpu.memory_space<hbm>>) dst(%dma_wait3A_284 : memref<7168xf32, #tpu.memory_space<vmem>>)
    %dma_wait3A_287 = arith.constant 7232 : i32
    %dma_wait3A_288 = tpu.memref_slice %arg14[%dma_wait3A_287] : memref<57856xf32, #tpu.memory_space<vmem>> -> memref<7168xf32, #tpu.memory_space<vmem>>
    %dma_wait3A_289 = arith.constant 0 : i32
    %dma_wait3A_290 = tpu.memref_slice %arg4[%dma_wait3A_289] : memref<802816xf32, #tpu.memory_space<hbm>> -> memref<7168xf32, #tpu.memory_space<hbm>>
    %dma_wait3A_291 = arith.constant 7232 : i32
    %dma_wait3A_292 = tpu.memref_slice %arg14[%dma_wait3A_291] : memref<57856xf32, #tpu.memory_space<vmem>> -> memref<7168xf32, #tpu.memory_space<vmem>>
    %dma_wait3A_293 = arith.constant 0 : i32
    %dma_wait3A_294 = tpu.memref_slice %arg4[%dma_wait3A_293] : memref<802816xf32, #tpu.memory_space<hbm>> -> memref<7168xf32, #tpu.memory_space<hbm>>
    tpu.wait_dma2 semaphore(%arg15 : memref<!tpu.dma_semaphore, #tpu.memory_space<semaphore_mem>>) src(%dma_wait3A_294 : memref<7168xf32, #tpu.memory_space<hbm>>) dst(%dma_wait3A_292 : memref<7168xf32, #tpu.memory_space<vmem>>)
    %dma_wait3A_295 = arith.constant 14464 : i32
    %dma_wait3A_296 = tpu.memref_slice %arg14[%dma_wait3A_295] : memref<57856xf32, #tpu.memory_space<vmem>> -> memref<7168xf32, #tpu.memory_space<vmem>>
    %dma_wait3A_297 = arith.constant 0 : i32
    %dma_wait3A_298 = tpu.memref_slice %arg5[%dma_wait3A_297] : memref<802816xf32, #tpu.memory_space<hbm>> -> memref<7168xf32, #tpu.memory_space<hbm>>
    %dma_wait3A_299 = arith.constant 14464 : i32
    %dma_wait3A_300 = tpu.memref_slice %arg14[%dma_wait3A_299] : memref<57856xf32, #tpu.memory_space<vmem>> -> memref<7168xf32, #tpu.memory_space<vmem>>
    %dma_wait3A_301 = arith.constant 0 : i32
    %dma_wait3A_302 = tpu.memref_slice %arg5[%dma_wait3A_301] : memref<802816xf32, #tpu.memory_space<hbm>> -> memref<7168xf32, #tpu.memory_space<hbm>>
    tpu.wait_dma2 semaphore(%arg15 : memref<!tpu.dma_semaphore, #tpu.memory_space<semaphore_mem>>) src(%dma_wait3A_302 : memref<7168xf32, #tpu.memory_space<hbm>>) dst(%dma_wait3A_300 : memref<7168xf32, #tpu.memory_space<vmem>>)
    %dma_wait3A_303 = arith.constant 21696 : i32
    %dma_wait3A_304 = tpu.memref_slice %arg14[%dma_wait3A_303] : memref<57856xf32, #tpu.memory_space<vmem>> -> memref<7168xf32, #tpu.memory_space<vmem>>
    %dma_wait3A_305 = arith.constant 0 : i32
    %dma_wait3A_306 = tpu.memref_slice %arg6[%dma_wait3A_305] : memref<802816xf32, #tpu.memory_space<hbm>> -> memref<7168xf32, #tpu.memory_space<hbm>>
    %dma_wait3A_307 = arith.constant 21696 : i32
    %dma_wait3A_308 = tpu.memref_slice %arg14[%dma_wait3A_307] : memref<57856xf32, #tpu.memory_space<vmem>> -> memref<7168xf32, #tpu.memory_space<vmem>>
    %dma_wait3A_309 = arith.constant 0 : i32
    %dma_wait3A_310 = tpu.memref_slice %arg6[%dma_wait3A_309] : memref<802816xf32, #tpu.memory_space<hbm>> -> memref<7168xf32, #tpu.memory_space<hbm>>
    tpu.wait_dma2 semaphore(%arg15 : memref<!tpu.dma_semaphore, #tpu.memory_space<semaphore_mem>>) src(%dma_wait3A_310 : memref<7168xf32, #tpu.memory_space<hbm>>) dst(%dma_wait3A_308 : memref<7168xf32, #tpu.memory_space<vmem>>)
    %dma_wait3A_311 = arith.constant 28928 : i32
    %dma_wait3A_312 = tpu.memref_slice %arg14[%dma_wait3A_311] : memref<57856xf32, #tpu.memory_space<vmem>> -> memref<7168xf32, #tpu.memory_space<vmem>>
    %dma_wait3A_313 = arith.constant 0 : i32
    %dma_wait3A_314 = tpu.memref_slice %arg7[%dma_wait3A_313] : memref<802816xf32, #tpu.memory_space<hbm>> -> memref<7168xf32, #tpu.memory_space<hbm>>
    %dma_wait3A_315 = arith.constant 28928 : i32
    %dma_wait3A_316 = tpu.memref_slice %arg14[%dma_wait3A_315] : memref<57856xf32, #tpu.memory_space<vmem>> -> memref<7168xf32, #tpu.memory_space<vmem>>
    %dma_wait3A_317 = arith.constant 0 : i32
    %dma_wait3A_318 = tpu.memref_slice %arg7[%dma_wait3A_317] : memref<802816xf32, #tpu.memory_space<hbm>> -> memref<7168xf32, #tpu.memory_space<hbm>>
    tpu.wait_dma2 semaphore(%arg15 : memref<!tpu.dma_semaphore, #tpu.memory_space<semaphore_mem>>) src(%dma_wait3A_318 : memref<7168xf32, #tpu.memory_space<hbm>>) dst(%dma_wait3A_316 : memref<7168xf32, #tpu.memory_space<vmem>>)
    %dma_wait3A_319 = arith.constant 36160 : i32
    %dma_wait3A_320 = tpu.memref_slice %arg14[%dma_wait3A_319] : memref<57856xf32, #tpu.memory_space<vmem>> -> memref<7168xf32, #tpu.memory_space<vmem>>
    %dma_wait3A_321 = arith.constant 0 : i32
    %dma_wait3A_322 = tpu.memref_slice %arg8[%dma_wait3A_321] : memref<802816xf32, #tpu.memory_space<hbm>> -> memref<7168xf32, #tpu.memory_space<hbm>>
    %dma_wait3A_323 = arith.constant 36160 : i32
    %dma_wait3A_324 = tpu.memref_slice %arg14[%dma_wait3A_323] : memref<57856xf32, #tpu.memory_space<vmem>> -> memref<7168xf32, #tpu.memory_space<vmem>>
    %dma_wait3A_325 = arith.constant 0 : i32
    %dma_wait3A_326 = tpu.memref_slice %arg8[%dma_wait3A_325] : memref<802816xf32, #tpu.memory_space<hbm>> -> memref<7168xf32, #tpu.memory_space<hbm>>
    tpu.wait_dma2 semaphore(%arg15 : memref<!tpu.dma_semaphore, #tpu.memory_space<semaphore_mem>>) src(%dma_wait3A_326 : memref<7168xf32, #tpu.memory_space<hbm>>) dst(%dma_wait3A_324 : memref<7168xf32, #tpu.memory_space<vmem>>)
    %dma_wait3A_327 = arith.constant 43392 : i32
    %dma_wait3A_328 = tpu.memref_slice %arg14[%dma_wait3A_327] : memref<57856xf32, #tpu.memory_space<vmem>> -> memref<7168xf32, #tpu.memory_space<vmem>>
    %dma_wait3A_329 = arith.constant 0 : i32
    %dma_wait3A_330 = tpu.memref_slice %arg9[%dma_wait3A_329] : memref<802816xf32, #tpu.memory_space<hbm>> -> memref<7168xf32, #tpu.memory_space<hbm>>
    %dma_wait3A_331 = arith.constant 43392 : i32
    %dma_wait3A_332 = tpu.memref_slice %arg14[%dma_wait3A_331] : memref<57856xf32, #tpu.memory_space<vmem>> -> memref<7168xf32, #tpu.memory_space<vmem>>
    %dma_wait3A_333 = arith.constant 0 : i32
    %dma_wait3A_334 = tpu.memref_slice %arg9[%dma_wait3A_333] : memref<802816xf32, #tpu.memory_space<hbm>> -> memref<7168xf32, #tpu.memory_space<hbm>>
    tpu.wait_dma2 semaphore(%arg15 : memref<!tpu.dma_semaphore, #tpu.memory_space<semaphore_mem>>) src(%dma_wait3A_334 : memref<7168xf32, #tpu.memory_space<hbm>>) dst(%dma_wait3A_332 : memref<7168xf32, #tpu.memory_space<vmem>>)
    %dma_wait3A_335 = arith.constant 50624 : i32
    %dma_wait3A_336 = tpu.memref_slice %arg14[%dma_wait3A_335] : memref<57856xf32, #tpu.memory_space<vmem>> -> memref<7168xf32, #tpu.memory_space<vmem>>
    %dma_wait3A_337 = arith.constant 0 : i32
    %dma_wait3A_338 = tpu.memref_slice %arg10[%dma_wait3A_337] : memref<802816xf32, #tpu.memory_space<hbm>> -> memref<7168xf32, #tpu.memory_space<hbm>>
    %dma_wait3A_339 = arith.constant 50624 : i32
    %dma_wait3A_340 = tpu.memref_slice %arg14[%dma_wait3A_339] : memref<57856xf32, #tpu.memory_space<vmem>> -> memref<7168xf32, #tpu.memory_space<vmem>>
    %dma_wait3A_341 = arith.constant 0 : i32
    %dma_wait3A_342 = tpu.memref_slice %arg10[%dma_wait3A_341] : memref<802816xf32, #tpu.memory_space<hbm>> -> memref<7168xf32, #tpu.memory_space<hbm>>
    tpu.wait_dma2 semaphore(%arg15 : memref<!tpu.dma_semaphore, #tpu.memory_space<semaphore_mem>>) src(%dma_wait3A_342 : memref<7168xf32, #tpu.memory_space<hbm>>) dst(%dma_wait3A_340 : memref<7168xf32, #tpu.memory_space<vmem>>)
    %mul3A_343 = arith.constant 921600 : i32
    %mul3A_344 = arith.muli %select_n3A, %mul3A_343 : i32
    %add3A_345 = arith.constant 0 : i32
    %add3A_346 = arith.addi %mul3A_344, %add3A_345 : i32
    %add3A_347 = arith.addi %add3A_346, %mul3A_32 : i32
    %add3A_348 = arith.constant 7232 : i32
    %add3A_349 = arith.addi %add3A_347, %add3A_348 : i32
    "tpu.region"() ({
      %run_scoped3A = tpu.sem_alloc : memref<!tpu.dma_semaphore, #tpu.memory_space<semaphore_mem>>
      %dma_start3A = arith.constant 0 : i32
      %dma_start3A_399 = tpu.memref_slice %arg14[%dma_start3A] : memref<57856xf32, #tpu.memory_space<vmem>> -> memref<7168xf32, #tpu.memory_space<vmem>>
      %dma_start3A_400 = tpu.memref_slice %arg11[%add3A_349] : memref<3686400xf32, #tpu.memory_space<hbm>> -> memref<7168xf32, #tpu.memory_space<hbm>>
      %dma_start3A_401 = tpu.memref_slice %arg11[%add3A_349] : memref<3686400xf32, #tpu.memory_space<hbm>> -> memref<7168xf32, #tpu.memory_space<hbm>>
      %dma_start3A_402 = arith.constant 0 : i32
      %dma_start3A_403 = tpu.memref_slice %arg14[%dma_start3A_402] : memref<57856xf32, #tpu.memory_space<vmem>> -> memref<7168xf32, #tpu.memory_space<vmem>>
      tpu.enqueue_dma source(%dma_start3A_403 : memref<7168xf32, #tpu.memory_space<vmem>>) target(%dma_start3A_401 : memref<7168xf32, #tpu.memory_space<hbm>>) target_semaphore(%run_scoped3A : memref<!tpu.dma_semaphore, #tpu.memory_space<semaphore_mem>>)
      %dma_wait3A_404 = arith.constant 0 : i32
      %dma_wait3A_405 = tpu.memref_slice %arg14[%dma_wait3A_404] : memref<57856xf32, #tpu.memory_space<vmem>> -> memref<7168xf32, #tpu.memory_space<vmem>>
      %dma_wait3A_406 = tpu.memref_slice %arg11[%add3A_349] : memref<3686400xf32, #tpu.memory_space<hbm>> -> memref<7168xf32, #tpu.memory_space<hbm>>
      %dma_wait3A_407 = tpu.memref_slice %arg11[%add3A_349] : memref<3686400xf32, #tpu.memory_space<hbm>> -> memref<7168xf32, #tpu.memory_space<hbm>>
      %dma_wait3A_408 = arith.constant 0 : i32
      %dma_wait3A_409 = tpu.memref_slice %arg14[%dma_wait3A_408] : memref<57856xf32, #tpu.memory_space<vmem>> -> memref<7168xf32, #tpu.memory_space<vmem>>
      tpu.wait_dma2 semaphore(%run_scoped3A : memref<!tpu.dma_semaphore, #tpu.memory_space<semaphore_mem>>) src(%dma_wait3A_409 : memref<7168xf32, #tpu.memory_space<vmem>>) dst(%dma_wait3A_407 : memref<7168xf32, #tpu.memory_space<hbm>>)
      tpu.yield
    }) : () -> ()
    %mul3A_350 = arith.constant 921600 : i32
    %mul3A_351 = arith.muli %select_n3A, %mul3A_350 : i32
    %add3A_352 = arith.constant 115200 : i32
    %add3A_353 = arith.addi %mul3A_351, %add3A_352 : i32
    %add3A_354 = arith.addi %add3A_353, %mul3A_32 : i32
    %add3A_355 = arith.constant 7232 : i32
    %add3A_356 = arith.addi %add3A_354, %add3A_355 : i32
    "tpu.region"() ({
      %run_scoped3A = tpu.sem_alloc : memref<!tpu.dma_semaphore, #tpu.memory_space<semaphore_mem>>
      %dma_start3A = arith.constant 7232 : i32
      %dma_start3A_399 = tpu.memref_slice %arg14[%dma_start3A] : memref<57856xf32, #tpu.memory_space<vmem>> -> memref<7168xf32, #tpu.memory_space<vmem>>
      %dma_start3A_400 = tpu.memref_slice %arg11[%add3A_356] : memref<3686400xf32, #tpu.memory_space<hbm>> -> memref<7168xf32, #tpu.memory_space<hbm>>
      %dma_start3A_401 = tpu.memref_slice %arg11[%add3A_356] : memref<3686400xf32, #tpu.memory_space<hbm>> -> memref<7168xf32, #tpu.memory_space<hbm>>
      %dma_start3A_402 = arith.constant 7232 : i32
      %dma_start3A_403 = tpu.memref_slice %arg14[%dma_start3A_402] : memref<57856xf32, #tpu.memory_space<vmem>> -> memref<7168xf32, #tpu.memory_space<vmem>>
      tpu.enqueue_dma source(%dma_start3A_403 : memref<7168xf32, #tpu.memory_space<vmem>>) target(%dma_start3A_401 : memref<7168xf32, #tpu.memory_space<hbm>>) target_semaphore(%run_scoped3A : memref<!tpu.dma_semaphore, #tpu.memory_space<semaphore_mem>>)
      %dma_wait3A_404 = arith.constant 7232 : i32
      %dma_wait3A_405 = tpu.memref_slice %arg14[%dma_wait3A_404] : memref<57856xf32, #tpu.memory_space<vmem>> -> memref<7168xf32, #tpu.memory_space<vmem>>
      %dma_wait3A_406 = tpu.memref_slice %arg11[%add3A_356] : memref<3686400xf32, #tpu.memory_space<hbm>> -> memref<7168xf32, #tpu.memory_space<hbm>>
      %dma_wait3A_407 = tpu.memref_slice %arg11[%add3A_356] : memref<3686400xf32, #tpu.memory_space<hbm>> -> memref<7168xf32, #tpu.memory_space<hbm>>
      %dma_wait3A_408 = arith.constant 7232 : i32
      %dma_wait3A_409 = tpu.memref_slice %arg14[%dma_wait3A_408] : memref<57856xf32, #tpu.memory_space<vmem>> -> memref<7168xf32, #tpu.memory_space<vmem>>
      tpu.wait_dma2 semaphore(%run_scoped3A : memref<!tpu.dma_semaphore, #tpu.memory_space<semaphore_mem>>) src(%dma_wait3A_409 : memref<7168xf32, #tpu.memory_space<vmem>>) dst(%dma_wait3A_407 : memref<7168xf32, #tpu.memory_space<hbm>>)
      tpu.yield
    }) : () -> ()
    %mul3A_357 = arith.constant 921600 : i32
    %mul3A_358 = arith.muli %select_n3A, %mul3A_357 : i32
    %add3A_359 = arith.constant 230400 : i32
    %add3A_360 = arith.addi %mul3A_358, %add3A_359 : i32
    %add3A_361 = arith.addi %add3A_360, %mul3A_32 : i32
    %add3A_362 = arith.constant 7232 : i32
    %add3A_363 = arith.addi %add3A_361, %add3A_362 : i32
    "tpu.region"() ({
      %run_scoped3A = tpu.sem_alloc : memref<!tpu.dma_semaphore, #tpu.memory_space<semaphore_mem>>
      %dma_start3A = arith.constant 14464 : i32
      %dma_start3A_399 = tpu.memref_slice %arg14[%dma_start3A] : memref<57856xf32, #tpu.memory_space<vmem>> -> memref<7168xf32, #tpu.memory_space<vmem>>
      %dma_start3A_400 = tpu.memref_slice %arg11[%add3A_363] : memref<3686400xf32, #tpu.memory_space<hbm>> -> memref<7168xf32, #tpu.memory_space<hbm>>
      %dma_start3A_401 = tpu.memref_slice %arg11[%add3A_363] : memref<3686400xf32, #tpu.memory_space<hbm>> -> memref<7168xf32, #tpu.memory_space<hbm>>
      %dma_start3A_402 = arith.constant 14464 : i32
      %dma_start3A_403 = tpu.memref_slice %arg14[%dma_start3A_402] : memref<57856xf32, #tpu.memory_space<vmem>> -> memref<7168xf32, #tpu.memory_space<vmem>>
      tpu.enqueue_dma source(%dma_start3A_403 : memref<7168xf32, #tpu.memory_space<vmem>>) target(%dma_start3A_401 : memref<7168xf32, #tpu.memory_space<hbm>>) target_semaphore(%run_scoped3A : memref<!tpu.dma_semaphore, #tpu.memory_space<semaphore_mem>>)
      %dma_wait3A_404 = arith.constant 14464 : i32
      %dma_wait3A_405 = tpu.memref_slice %arg14[%dma_wait3A_404] : memref<57856xf32, #tpu.memory_space<vmem>> -> memref<7168xf32, #tpu.memory_space<vmem>>
      %dma_wait3A_406 = tpu.memref_slice %arg11[%add3A_363] : memref<3686400xf32, #tpu.memory_space<hbm>> -> memref<7168xf32, #tpu.memory_space<hbm>>
      %dma_wait3A_407 = tpu.memref_slice %arg11[%add3A_363] : memref<3686400xf32, #tpu.memory_space<hbm>> -> memref<7168xf32, #tpu.memory_space<hbm>>
      %dma_wait3A_408 = arith.constant 14464 : i32
      %dma_wait3A_409 = tpu.memref_slice %arg14[%dma_wait3A_408] : memref<57856xf32, #tpu.memory_space<vmem>> -> memref<7168xf32, #tpu.memory_space<vmem>>
      tpu.wait_dma2 semaphore(%run_scoped3A : memref<!tpu.dma_semaphore, #tpu.memory_space<semaphore_mem>>) src(%dma_wait3A_409 : memref<7168xf32, #tpu.memory_space<vmem>>) dst(%dma_wait3A_407 : memref<7168xf32, #tpu.memory_space<hbm>>)
      tpu.yield
    }) : () -> ()
    %mul3A_364 = arith.constant 921600 : i32
    %mul3A_365 = arith.muli %select_n3A, %mul3A_364 : i32
    %add3A_366 = arith.constant 345600 : i32
    %add3A_367 = arith.addi %mul3A_365, %add3A_366 : i32
    %add3A_368 = arith.addi %add3A_367, %mul3A_32 : i32
    %add3A_369 = arith.constant 7232 : i32
    %add3A_370 = arith.addi %add3A_368, %add3A_369 : i32
    "tpu.region"() ({
      %run_scoped3A = tpu.sem_alloc : memref<!tpu.dma_semaphore, #tpu.memory_space<semaphore_mem>>
      %dma_start3A = arith.constant 21696 : i32
      %dma_start3A_399 = tpu.memref_slice %arg14[%dma_start3A] : memref<57856xf32, #tpu.memory_space<vmem>> -> memref<7168xf32, #tpu.memory_space<vmem>>
      %dma_start3A_400 = tpu.memref_slice %arg11[%add3A_370] : memref<3686400xf32, #tpu.memory_space<hbm>> -> memref<7168xf32, #tpu.memory_space<hbm>>
      %dma_start3A_401 = tpu.memref_slice %arg11[%add3A_370] : memref<3686400xf32, #tpu.memory_space<hbm>> -> memref<7168xf32, #tpu.memory_space<hbm>>
      %dma_start3A_402 = arith.constant 21696 : i32
      %dma_start3A_403 = tpu.memref_slice %arg14[%dma_start3A_402] : memref<57856xf32, #tpu.memory_space<vmem>> -> memref<7168xf32, #tpu.memory_space<vmem>>
      tpu.enqueue_dma source(%dma_start3A_403 : memref<7168xf32, #tpu.memory_space<vmem>>) target(%dma_start3A_401 : memref<7168xf32, #tpu.memory_space<hbm>>) target_semaphore(%run_scoped3A : memref<!tpu.dma_semaphore, #tpu.memory_space<semaphore_mem>>)
      %dma_wait3A_404 = arith.constant 21696 : i32
      %dma_wait3A_405 = tpu.memref_slice %arg14[%dma_wait3A_404] : memref<57856xf32, #tpu.memory_space<vmem>> -> memref<7168xf32, #tpu.memory_space<vmem>>
      %dma_wait3A_406 = tpu.memref_slice %arg11[%add3A_370] : memref<3686400xf32, #tpu.memory_space<hbm>> -> memref<7168xf32, #tpu.memory_space<hbm>>
      %dma_wait3A_407 = tpu.memref_slice %arg11[%add3A_370] : memref<3686400xf32, #tpu.memory_space<hbm>> -> memref<7168xf32, #tpu.memory_space<hbm>>
      %dma_wait3A_408 = arith.constant 21696 : i32
      %dma_wait3A_409 = tpu.memref_slice %arg14[%dma_wait3A_408] : memref<57856xf32, #tpu.memory_space<vmem>> -> memref<7168xf32, #tpu.memory_space<vmem>>
      tpu.wait_dma2 semaphore(%run_scoped3A : memref<!tpu.dma_semaphore, #tpu.memory_space<semaphore_mem>>) src(%dma_wait3A_409 : memref<7168xf32, #tpu.memory_space<vmem>>) dst(%dma_wait3A_407 : memref<7168xf32, #tpu.memory_space<hbm>>)
      tpu.yield
    }) : () -> ()
    %mul3A_371 = arith.constant 921600 : i32
    %mul3A_372 = arith.muli %select_n3A, %mul3A_371 : i32
    %add3A_373 = arith.constant 460800 : i32
    %add3A_374 = arith.addi %mul3A_372, %add3A_373 : i32
    %add3A_375 = arith.addi %add3A_374, %mul3A_32 : i32
    %add3A_376 = arith.constant 7232 : i32
    %add3A_377 = arith.addi %add3A_375, %add3A_376 : i32
    "tpu.region"() ({
      %run_scoped3A = tpu.sem_alloc : memref<!tpu.dma_semaphore, #tpu.memory_space<semaphore_mem>>
      %dma_start3A = arith.constant 28928 : i32
      %dma_start3A_399 = tpu.memref_slice %arg14[%dma_start3A] : memref<57856xf32, #tpu.memory_space<vmem>> -> memref<7168xf32, #tpu.memory_space<vmem>>
      %dma_start3A_400 = tpu.memref_slice %arg11[%add3A_377] : memref<3686400xf32, #tpu.memory_space<hbm>> -> memref<7168xf32, #tpu.memory_space<hbm>>
      %dma_start3A_401 = tpu.memref_slice %arg11[%add3A_377] : memref<3686400xf32, #tpu.memory_space<hbm>> -> memref<7168xf32, #tpu.memory_space<hbm>>
      %dma_start3A_402 = arith.constant 28928 : i32
      %dma_start3A_403 = tpu.memref_slice %arg14[%dma_start3A_402] : memref<57856xf32, #tpu.memory_space<vmem>> -> memref<7168xf32, #tpu.memory_space<vmem>>
      tpu.enqueue_dma source(%dma_start3A_403 : memref<7168xf32, #tpu.memory_space<vmem>>) target(%dma_start3A_401 : memref<7168xf32, #tpu.memory_space<hbm>>) target_semaphore(%run_scoped3A : memref<!tpu.dma_semaphore, #tpu.memory_space<semaphore_mem>>)
      %dma_wait3A_404 = arith.constant 28928 : i32
      %dma_wait3A_405 = tpu.memref_slice %arg14[%dma_wait3A_404] : memref<57856xf32, #tpu.memory_space<vmem>> -> memref<7168xf32, #tpu.memory_space<vmem>>
      %dma_wait3A_406 = tpu.memref_slice %arg11[%add3A_377] : memref<3686400xf32, #tpu.memory_space<hbm>> -> memref<7168xf32, #tpu.memory_space<hbm>>
      %dma_wait3A_407 = tpu.memref_slice %arg11[%add3A_377] : memref<3686400xf32, #tpu.memory_space<hbm>> -> memref<7168xf32, #tpu.memory_space<hbm>>
      %dma_wait3A_408 = arith.constant 28928 : i32
      %dma_wait3A_409 = tpu.memref_slice %arg14[%dma_wait3A_408] : memref<57856xf32, #tpu.memory_space<vmem>> -> memref<7168xf32, #tpu.memory_space<vmem>>
      tpu.wait_dma2 semaphore(%run_scoped3A : memref<!tpu.dma_semaphore, #tpu.memory_space<semaphore_mem>>) src(%dma_wait3A_409 : memref<7168xf32, #tpu.memory_space<vmem>>) dst(%dma_wait3A_407 : memref<7168xf32, #tpu.memory_space<hbm>>)
      tpu.yield
    }) : () -> ()
    %mul3A_378 = arith.constant 921600 : i32
    %mul3A_379 = arith.muli %select_n3A, %mul3A_378 : i32
    %add3A_380 = arith.constant 576000 : i32
    %add3A_381 = arith.addi %mul3A_379, %add3A_380 : i32
    %add3A_382 = arith.addi %add3A_381, %mul3A_32 : i32
    %add3A_383 = arith.constant 7232 : i32
    %add3A_384 = arith.addi %add3A_382, %add3A_383 : i32
    "tpu.region"() ({
      %run_scoped3A = tpu.sem_alloc : memref<!tpu.dma_semaphore, #tpu.memory_space<semaphore_mem>>
      %dma_start3A = arith.constant 36160 : i32
      %dma_start3A_399 = tpu.memref_slice %arg14[%dma_start3A] : memref<57856xf32, #tpu.memory_space<vmem>> -> memref<7168xf32, #tpu.memory_space<vmem>>
      %dma_start3A_400 = tpu.memref_slice %arg11[%add3A_384] : memref<3686400xf32, #tpu.memory_space<hbm>> -> memref<7168xf32, #tpu.memory_space<hbm>>
      %dma_start3A_401 = tpu.memref_slice %arg11[%add3A_384] : memref<3686400xf32, #tpu.memory_space<hbm>> -> memref<7168xf32, #tpu.memory_space<hbm>>
      %dma_start3A_402 = arith.constant 36160 : i32
      %dma_start3A_403 = tpu.memref_slice %arg14[%dma_start3A_402] : memref<57856xf32, #tpu.memory_space<vmem>> -> memref<7168xf32, #tpu.memory_space<vmem>>
      tpu.enqueue_dma source(%dma_start3A_403 : memref<7168xf32, #tpu.memory_space<vmem>>) target(%dma_start3A_401 : memref<7168xf32, #tpu.memory_space<hbm>>) target_semaphore(%run_scoped3A : memref<!tpu.dma_semaphore, #tpu.memory_space<semaphore_mem>>)
      %dma_wait3A_404 = arith.constant 36160 : i32
      %dma_wait3A_405 = tpu.memref_slice %arg14[%dma_wait3A_404] : memref<57856xf32, #tpu.memory_space<vmem>> -> memref<7168xf32, #tpu.memory_space<vmem>>
      %dma_wait3A_406 = tpu.memref_slice %arg11[%add3A_384] : memref<3686400xf32, #tpu.memory_space<hbm>> -> memref<7168xf32, #tpu.memory_space<hbm>>
      %dma_wait3A_407 = tpu.memref_slice %arg11[%add3A_384] : memref<3686400xf32, #tpu.memory_space<hbm>> -> memref<7168xf32, #tpu.memory_space<hbm>>
      %dma_wait3A_408 = arith.constant 36160 : i32
      %dma_wait3A_409 = tpu.memref_slice %arg14[%dma_wait3A_408] : memref<57856xf32, #tpu.memory_space<vmem>> -> memref<7168xf32, #tpu.memory_space<vmem>>
      tpu.wait_dma2 semaphore(%run_scoped3A : memref<!tpu.dma_semaphore, #tpu.memory_space<semaphore_mem>>) src(%dma_wait3A_409 : memref<7168xf32, #tpu.memory_space<vmem>>) dst(%dma_wait3A_407 : memref<7168xf32, #tpu.memory_space<hbm>>)
      tpu.yield
    }) : () -> ()
    %mul3A_385 = arith.constant 921600 : i32
    %mul3A_386 = arith.muli %select_n3A, %mul3A_385 : i32
    %add3A_387 = arith.constant 691200 : i32
    %add3A_388 = arith.addi %mul3A_386, %add3A_387 : i32
    %add3A_389 = arith.addi %add3A_388, %mul3A_32 : i32
    %add3A_390 = arith.constant 7232 : i32
    %add3A_391 = arith.addi %add3A_389, %add3A_390 : i32
    "tpu.region"() ({
      %run_scoped3A = tpu.sem_alloc : memref<!tpu.dma_semaphore, #tpu.memory_space<semaphore_mem>>
      %dma_start3A = arith.constant 43392 : i32
      %dma_start3A_399 = tpu.memref_slice %arg14[%dma_start3A] : memref<57856xf32, #tpu.memory_space<vmem>> -> memref<7168xf32, #tpu.memory_space<vmem>>
      %dma_start3A_400 = tpu.memref_slice %arg11[%add3A_391] : memref<3686400xf32, #tpu.memory_space<hbm>> -> memref<7168xf32, #tpu.memory_space<hbm>>
      %dma_start3A_401 = tpu.memref_slice %arg11[%add3A_391] : memref<3686400xf32, #tpu.memory_space<hbm>> -> memref<7168xf32, #tpu.memory_space<hbm>>
      %dma_start3A_402 = arith.constant 43392 : i32
      %dma_start3A_403 = tpu.memref_slice %arg14[%dma_start3A_402] : memref<57856xf32, #tpu.memory_space<vmem>> -> memref<7168xf32, #tpu.memory_space<vmem>>
      tpu.enqueue_dma source(%dma_start3A_403 : memref<7168xf32, #tpu.memory_space<vmem>>) target(%dma_start3A_401 : memref<7168xf32, #tpu.memory_space<hbm>>) target_semaphore(%run_scoped3A : memref<!tpu.dma_semaphore, #tpu.memory_space<semaphore_mem>>)
      %dma_wait3A_404 = arith.constant 43392 : i32
      %dma_wait3A_405 = tpu.memref_slice %arg14[%dma_wait3A_404] : memref<57856xf32, #tpu.memory_space<vmem>> -> memref<7168xf32, #tpu.memory_space<vmem>>
      %dma_wait3A_406 = tpu.memref_slice %arg11[%add3A_391] : memref<3686400xf32, #tpu.memory_space<hbm>> -> memref<7168xf32, #tpu.memory_space<hbm>>
      %dma_wait3A_407 = tpu.memref_slice %arg11[%add3A_391] : memref<3686400xf32, #tpu.memory_space<hbm>> -> memref<7168xf32, #tpu.memory_space<hbm>>
      %dma_wait3A_408 = arith.constant 43392 : i32
      %dma_wait3A_409 = tpu.memref_slice %arg14[%dma_wait3A_408] : memref<57856xf32, #tpu.memory_space<vmem>> -> memref<7168xf32, #tpu.memory_space<vmem>>
      tpu.wait_dma2 semaphore(%run_scoped3A : memref<!tpu.dma_semaphore, #tpu.memory_space<semaphore_mem>>) src(%dma_wait3A_409 : memref<7168xf32, #tpu.memory_space<vmem>>) dst(%dma_wait3A_407 : memref<7168xf32, #tpu.memory_space<hbm>>)
      tpu.yield
    }) : () -> ()
    %mul3A_392 = arith.constant 921600 : i32
    %mul3A_393 = arith.muli %select_n3A, %mul3A_392 : i32
    %add3A_394 = arith.constant 806400 : i32
    %add3A_395 = arith.addi %mul3A_393, %add3A_394 : i32
    %add3A_396 = arith.addi %add3A_395, %mul3A_32 : i32
    %add3A_397 = arith.constant 7232 : i32
    %add3A_398 = arith.addi %add3A_396, %add3A_397 : i32
    "tpu.region"() ({
      %run_scoped3A = tpu.sem_alloc : memref<!tpu.dma_semaphore, #tpu.memory_space<semaphore_mem>>
      %dma_start3A = arith.constant 50624 : i32
      %dma_start3A_399 = tpu.memref_slice %arg14[%dma_start3A] : memref<57856xf32, #tpu.memory_space<vmem>> -> memref<7168xf32, #tpu.memory_space<vmem>>
      %dma_start3A_400 = tpu.memref_slice %arg11[%add3A_398] : memref<3686400xf32, #tpu.memory_space<hbm>> -> memref<7168xf32, #tpu.memory_space<hbm>>
      %dma_start3A_401 = tpu.memref_slice %arg11[%add3A_398] : memref<3686400xf32, #tpu.memory_space<hbm>> -> memref<7168xf32, #tpu.memory_space<hbm>>
      %dma_start3A_402 = arith.constant 50624 : i32
      %dma_start3A_403 = tpu.memref_slice %arg14[%dma_start3A_402] : memref<57856xf32, #tpu.memory_space<vmem>> -> memref<7168xf32, #tpu.memory_space<vmem>>
      tpu.enqueue_dma source(%dma_start3A_403 : memref<7168xf32, #tpu.memory_space<vmem>>) target(%dma_start3A_401 : memref<7168xf32, #tpu.memory_space<hbm>>) target_semaphore(%run_scoped3A : memref<!tpu.dma_semaphore, #tpu.memory_space<semaphore_mem>>)
      %dma_wait3A_404 = arith.constant 50624 : i32
      %dma_wait3A_405 = tpu.memref_slice %arg14[%dma_wait3A_404] : memref<57856xf32, #tpu.memory_space<vmem>> -> memref<7168xf32, #tpu.memory_space<vmem>>
      %dma_wait3A_406 = tpu.memref_slice %arg11[%add3A_398] : memref<3686400xf32, #tpu.memory_space<hbm>> -> memref<7168xf32, #tpu.memory_space<hbm>>
      %dma_wait3A_407 = tpu.memref_slice %arg11[%add3A_398] : memref<3686400xf32, #tpu.memory_space<hbm>> -> memref<7168xf32, #tpu.memory_space<hbm>>
      %dma_wait3A_408 = arith.constant 50624 : i32
      %dma_wait3A_409 = tpu.memref_slice %arg14[%dma_wait3A_408] : memref<57856xf32, #tpu.memory_space<vmem>> -> memref<7168xf32, #tpu.memory_space<vmem>>
      tpu.wait_dma2 semaphore(%run_scoped3A : memref<!tpu.dma_semaphore, #tpu.memory_space<semaphore_mem>>) src(%dma_wait3A_409 : memref<7168xf32, #tpu.memory_space<vmem>>) dst(%dma_wait3A_407 : memref<7168xf32, #tpu.memory_space<hbm>>)
      tpu.yield
    }) : () -> ()
    return
  }
}

module attributes {stable_mosaic.version = 14 : i64} {
  func.func @_tc_body(%arg0: i32, %arg1: memref<128x128xf32, #tpu.memory_space<vmem>>, %arg2: memref<128x128xf32, #tpu.memory_space<vmem>>, %arg3: memref<128x128xf32, #tpu.memory_space<vmem>>, %arg4: memref<128x128xf32, #tpu.memory_space<vmem>>, %arg5: memref<128x128xf32, #tpu.memory_space<vmem>>, %arg6: memref<128x128xf32, #tpu.memory_space<vmem>>, %arg7: memref<128x128xi32, #tpu.memory_space<vmem>>) attributes {dimension_semantics = [#tpu.dimension_semantics<arbitrary>], iteration_bounds = array<i64: 49>, scalar_prefetch = 0 : i64, scratch_operands = 0 : i64, tpu.core_type = #tpu.core_type<tc>, window_params = [{transform_indices = @transform_0, window_bounds = array<i64: 128, 128>}, {transform_indices = @transform_1, window_bounds = array<i64: 128, 128>}, {transform_indices = @transform_2, window_bounds = array<i64: 128, 128>}, {transform_indices = @transform_3, window_bounds = array<i64: 128, 128>}, {transform_indices = @transform_4, window_bounds = array<i64: 128, 128>}, {transform_indices = @transform_5, window_bounds = array<i64: 128, 128>}, {transform_indices = @transform_6, window_bounds = array<i64: 128, 128>}]} {
    %get3A = arith.constant 0 : index
    %get3A_0 = arith.constant 0 : index
    %get3A_1 = vector.load %arg1[%get3A, %get3A_0] : memref<128x128xf32, #tpu.memory_space<vmem>>, vector<128x128xf32>
    %get3A_2 = arith.constant 0 : index
    %get3A_3 = arith.constant 0 : index
    %get3A_4 = vector.load %arg2[%get3A_2, %get3A_3] : memref<128x128xf32, #tpu.memory_space<vmem>>, vector<128x128xf32>
    %get3A_5 = arith.constant 0 : index
    %get3A_6 = arith.constant 0 : index
    %get3A_7 = vector.load %arg3[%get3A_5, %get3A_6] : memref<128x128xf32, #tpu.memory_space<vmem>>, vector<128x128xf32>
    %mul3A = arith.mulf %get3A_1, %get3A_1 : vector<128x128xf32>
    %mul3A_8 = arith.mulf %get3A_4, %get3A_4 : vector<128x128xf32>
    %add3A = arith.addf %mul3A, %mul3A_8 : vector<128x128xf32>
    %mul3A_9 = arith.mulf %get3A_7, %get3A_7 : vector<128x128xf32>
    %add3A_10 = arith.addf %add3A, %mul3A_9 : vector<128x128xf32>
    %sqrt3A = math.sqrt %add3A_10 : vector<128x128xf32>
    %atan23A = math.atan2 %get3A_4, %get3A_1 : vector<128x128xf32>
    %neg3A = arith.constant 0.000000e+00 : f32
    %neg3A_11 = vector.broadcast %neg3A : f32 to vector<128x128xf32>
    %neg3A_12 = arith.subf %neg3A_11, %atan23A : vector<128x128xf32>
    %max3A = arith.constant 9.99999974E-6 : f32
    %max3A_13 = vector.broadcast %max3A : f32 to vector<128x128xf32>
    %max3A_14 = arith.maximumf %sqrt3A, %max3A_13 : vector<128x128xf32>
    %div3A = arith.divf %get3A_7, %max3A_14 : vector<128x128xf32>
    %mul3A_15 = arith.mulf %div3A, %div3A : vector<128x128xf32>
    %sub3A = arith.constant 1.000000e+00 : f32
    %sub3A_16 = vector.broadcast %sub3A : f32 to vector<128x128xf32>
    %sub3A_17 = arith.subf %sub3A_16, %mul3A_15 : vector<128x128xf32>
    %sqrt3A_18 = math.sqrt %sub3A_17 : vector<128x128xf32>
    %add3A_19 = arith.constant 1.000000e+00 : f32
    %add3A_20 = vector.broadcast %add3A_19 : f32 to vector<128x128xf32>
    %add3A_21 = arith.addf %add3A_20, %sqrt3A_18 : vector<128x128xf32>
    %atan23A_22 = math.atan2 %div3A, %add3A_21 : vector<128x128xf32>
    %mul3A_23 = arith.constant 2.000000e+00 : f32
    %mul3A_24 = vector.broadcast %mul3A_23 : f32 to vector<128x128xf32>
    %mul3A_25 = arith.mulf %mul3A_24, %atan23A_22 : vector<128x128xf32>
    %neg3A_26 = arith.constant 0.000000e+00 : f32
    %neg3A_27 = vector.broadcast %neg3A_26 : f32 to vector<128x128xf32>
    %neg3A_28 = arith.subf %neg3A_27, %mul3A_25 : vector<128x128xf32>
    %sub3A_29 = arith.constant -3.14159274 : f32
    %sub3A_30 = vector.broadcast %sub3A_29 : f32 to vector<128x128xf32>
    %sub3A_31 = arith.subf %neg3A_12, %sub3A_30 : vector<128x128xf32>
    %div3A_32 = arith.constant 0.00349065848 : f32
    %div3A_33 = vector.broadcast %div3A_32 : f32 to vector<128x128xf32>
    %div3A_34 = arith.divf %sub3A_31, %div3A_33 : vector<128x128xf32>
    %convert_element_type3A = arith.fptosi %div3A_34 : vector<128x128xf32> to vector<128x128xi32>
    %sub3A_35 = arith.constant -0.436332315 : f32
    %sub3A_36 = vector.broadcast %sub3A_35 : f32 to vector<128x128xf32>
    %sub3A_37 = arith.subf %neg3A_28, %sub3A_36 : vector<128x128xf32>
    %div3A_38 = arith.constant 0.00763581553 : f32
    %div3A_39 = vector.broadcast %div3A_38 : f32 to vector<128x128xf32>
    %div3A_40 = arith.divf %sub3A_37, %div3A_39 : vector<128x128xf32>
    %convert_element_type3A_41 = arith.fptosi %div3A_40 : vector<128x128xf32> to vector<128x128xi32>
    %ge3A = arith.constant -3.14159274 : f32
    %ge3A_42 = vector.broadcast %ge3A : f32 to vector<128x128xf32>
    %ge3A_43 = arith.cmpf oge, %neg3A_12, %ge3A_42 : vector<128x128xf32>
    %lt3A = arith.constant 3.14159274 : f32
    %lt3A_44 = vector.broadcast %lt3A : f32 to vector<128x128xf32>
    %lt3A_45 = arith.cmpf olt, %neg3A_12, %lt3A_44 : vector<128x128xf32>
    %and3A = arith.andi %ge3A_43, %lt3A_45 : vector<128x128xi1>
    %ge3A_46 = arith.constant -0.436332315 : f32
    %ge3A_47 = vector.broadcast %ge3A_46 : f32 to vector<128x128xf32>
    %ge3A_48 = arith.cmpf oge, %neg3A_28, %ge3A_47 : vector<128x128xf32>
    %and3A_49 = arith.andi %and3A, %ge3A_48 : vector<128x128xi1>
    %lt3A_50 = arith.constant 0.052359879 : f32
    %lt3A_51 = vector.broadcast %lt3A_50 : f32 to vector<128x128xf32>
    %lt3A_52 = arith.cmpf olt, %neg3A_28, %lt3A_51 : vector<128x128xf32>
    %and3A_53 = arith.andi %and3A_49, %lt3A_52 : vector<128x128xi1>
    %lt3A_54 = arith.constant 1800 : i32
    %lt3A_55 = vector.broadcast %lt3A_54 : i32 to vector<128x128xi32>
    %lt3A_56 = arith.cmpi slt, %convert_element_type3A, %lt3A_55 : vector<128x128xi32>
    %and3A_57 = arith.andi %and3A_53, %lt3A_56 : vector<128x128xi1>
    %lt3A_58 = arith.constant 64 : i32
    %lt3A_59 = vector.broadcast %lt3A_58 : i32 to vector<128x128xi32>
    %lt3A_60 = arith.cmpi slt, %convert_element_type3A_41, %lt3A_59 : vector<128x128xi32>
    %and3A_61 = arith.andi %and3A_57, %lt3A_60 : vector<128x128xi1>
    %mul3A_62 = arith.constant 1800 : i32
    %mul3A_63 = vector.broadcast %mul3A_62 : i32 to vector<128x128xi32>
    %mul3A_64 = arith.muli %convert_element_type3A_41, %mul3A_63 : vector<128x128xi32>
    %add3A_65 = arith.addi %mul3A_64, %convert_element_type3A : vector<128x128xi32>
    %jit3A = arith.constant 1073741824 : i32
    %broadcast_in_dim3A = vector.broadcast %jit3A : i32 to vector<128x128xi32>
    %select_n3A = arith.select %and3A_61, %add3A_65, %broadcast_in_dim3A : vector<128x128xi1>, vector<128x128xi32>
    %swap3A = arith.constant 0 : index
    %swap3A_66 = arith.constant 0 : index
    %swap3A_67 = vector.load %arg4[%swap3A, %swap3A_66] : memref<128x128xf32, #tpu.memory_space<vmem>>, vector<128x128xf32>
    tpu.vector_store %arg4[%swap3A, %swap3A_66], %sqrt3A {strides = array<i32>} : memref<128x128xf32, #tpu.memory_space<vmem>>, vector<128x128xf32>,
    %swap3A_68 = arith.constant 0 : index
    %swap3A_69 = arith.constant 0 : index
    %swap3A_70 = vector.load %arg5[%swap3A_68, %swap3A_69] : memref<128x128xf32, #tpu.memory_space<vmem>>, vector<128x128xf32>
    tpu.vector_store %arg5[%swap3A_68, %swap3A_69], %neg3A_12 {strides = array<i32>} : memref<128x128xf32, #tpu.memory_space<vmem>>, vector<128x128xf32>,
    %swap3A_71 = arith.constant 0 : index
    %swap3A_72 = arith.constant 0 : index
    %swap3A_73 = vector.load %arg6[%swap3A_71, %swap3A_72] : memref<128x128xf32, #tpu.memory_space<vmem>>, vector<128x128xf32>
    tpu.vector_store %arg6[%swap3A_71, %swap3A_72], %neg3A_28 {strides = array<i32>} : memref<128x128xf32, #tpu.memory_space<vmem>>, vector<128x128xf32>,
    %swap3A_74 = arith.constant 0 : index
    %swap3A_75 = arith.constant 0 : index
    %swap3A_76 = vector.load %arg7[%swap3A_74, %swap3A_75] : memref<128x128xi32, #tpu.memory_space<vmem>>, vector<128x128xi32>
    tpu.vector_store %arg7[%swap3A_74, %swap3A_75], %select_n3A {strides = array<i32>} : memref<128x128xi32, #tpu.memory_space<vmem>>, vector<128x128xi32>,
    return
  }
  func.func @transform_0(%arg0: i32) -> (i32, i32) {
    %c0_i32 = arith.constant 0 : i32
    %c0_i32_0 = arith.constant 0 : i32
    return %arg0, %c0_i32 : i32, i32
  }
  func.func @transform_1(%arg0: i32) -> (i32, i32) {
    %c0_i32 = arith.constant 0 : i32
    %c0_i32_0 = arith.constant 0 : i32
    return %arg0, %c0_i32 : i32, i32
  }
  func.func @transform_2(%arg0: i32) -> (i32, i32) {
    %c0_i32 = arith.constant 0 : i32
    %c0_i32_0 = arith.constant 0 : i32
    return %arg0, %c0_i32 : i32, i32
  }
  func.func @transform_3(%arg0: i32) -> (i32, i32) {
    %c0_i32 = arith.constant 0 : i32
    %c0_i32_0 = arith.constant 0 : i32
    return %arg0, %c0_i32 : i32, i32
  }
  func.func @transform_4(%arg0: i32) -> (i32, i32) {
    %c0_i32 = arith.constant 0 : i32
    %c0_i32_0 = arith.constant 0 : i32
    return %arg0, %c0_i32 : i32, i32
  }
  func.func @transform_5(%arg0: i32) -> (i32, i32) {
    %c0_i32 = arith.constant 0 : i32
    %c0_i32_0 = arith.constant 0 : i32
    return %arg0, %c0_i32 : i32, i32
  }
  func.func @transform_6(%arg0: i32) -> (i32, i32) {
    %c0_i32 = arith.constant 0 : i32
    %c0_i32_0 = arith.constant 0 : i32
    return %arg0, %c0_i32 : i32, i32
  }
}

</mosaic_0001>

<sc_bundles>
// kernel: kernel.4.cloned.1.call-start
scs
__scs_entry_jumppad:
0x0: {  	(pc) =	sbr.rel $0x88, $3  }
0x1: {  	(tag) =	ssettag $0x0;
	lr =	simm.s32 $0x1  }
0x2: {  	[smem:$0x3FA0] =	sst lr;
	_ =	strace $0xD0000000  }
0x3: {  	_ = 	snop  }
0x4: {  	_ = 	snop  }
0x5: {  	_ = 	snop  }
0x6: {  	_ = 	snop  }
0x7: {  	_ = 	snop  }
__scs_overlays_trampoline_lowered:
0x8: {  	[smem:$0x3FAF] =	sst s0  }
0x9: {  	[smem:$0x3FB0] =	sst s1  }
0xa: {  	[smem:$0x3FB1] =	sst s2  }
0xb: {  	[smem:$0x3FB2] =	sst s3  }
0xc: {  	[smem:$0x3FB3] =	sst s4  }
0xd: {  	[smem:$0x3FB4] =	sst s5  }
0xe: {  	[smem:$0x3FB5] =	sst s6  }
0xf: {  	[smem:$0x3FB6] =	sst s7  }
0x10: {  	[smem:$0x3FB7] =	sst s8  }
0x11: {  	[smem:$0x3FB8] =	sst s9;
	s0 =	simm.s32 @!p0 $0x0  }
0x12: {  	s1 =	sld [smem:$0x3F9E];
	s0 =	simm.s32 @p0 $0x1  }
0x13: {  	[smem:$0x3FB9] =	sst s0;
	s0 =	simm.s32 @!p1 $0x0  }
0x14: {  	s2 =	sld [smem:$0x3F9D];
	s0 =	simm.s32 @p1 $0x1  }
0x15: {  	[smem:$0x3FBA] =	sst s0;
	s0 =	simm.s32 @!p2 $0x0  }
0x16: {  	s3 =	sld [smem:$0x3FDB];
	s0 =	simm.s32 @p2 $0x1  }
0x17: {  	s4 =	simm.s32 $0x1BF5;
	[smem:$0x3FBC] =	sst s0  }
0x18: {  	s0 =	sld [smem:$0x3F9F];
	_ =	swait.ge [sflag:s4], $0x0  }
0x19: {  	s7 =	sld [smem:$0x3FA0]  }
0x1a: {  	s8 =	sadd.s32 $0xFFFFE003, lr  }
0x1b: {  	s9 =	sadd.s32 $0xFFFFFEF7, lr;
	s5 =	simm.s32 $0xFFFFFFFF;
	p2 =	slt.u32 s8, $0xFFFFF086  }
0x1c: {  	p1 =	slt.u32 s9, $0xF7A;
	s5 =	simm.s32 @!p2 $0x0  }
0x1d: {  	s5 =	simm.s32 @p1 $0x1;
	p0 =	seq.s32 s7, s2  }
0x1e: {  	s7 =	smul.u32 @!p0 $0xF7A, s2;
	p2 =	seq.s32 @!p0 s5, $0x0  }
0x1f: {  	s9 =	smul.u32 $0xF7A, s1;
	s8 =	simm.s32 @!p0 $0x1BF5;
	p2 =	por !p2, p0  }
0x20: {  	[sflag:s8] =	ssyncset.s32 @!p0 $0xFFFFF086;
	s6 =	sadd.s32 @!p0 s3, s7;
	s7 =	simm.s32 @!p0 $0x108  }
0x21: {  	s3 =	sadd.s32 s3, s9;
	s6 =	sadd.s32 @!p0 $0x88, s6;
	s7 =	simm.s32 @p2 $0x1082  }
0x22: {  	[simem:s7], [sflag:s8] =	dma.local @!p0 [hbm:s6], $0xF7A  }
0x23: {  	s9 =	sor.u32 $0xD0000000, s2;
	s6 =	simm.s32 $0x108;
	_ =	swait.ge @!p0 [sflag:s8], $0x0  }
0x24: {  	s3 =	sadd.s32 $0x88, s3;
	s6 =	simm.s32 @!p1 $0x1082;
	[sflag:s4] =	ssyncset.s32 $0xFFFFF086  }
0x25: {  	[simem:s6], [sflag:s4] =	dma.local [hbm:s3], $0xF7A  }
0x26: {  	[smem:$0x3FA0] =	sst s1;
	(tag) =	ssettag s2;
	_ =	strace s9  }
0x27: {  	s1 =	sld [smem:$0x3FB0]  }
0x28: {  	s2 =	sld [smem:$0x3FB1]  }
0x29: {  	s4 =	sld [smem:$0x3FB3]  }
0x2a: {  	p0 =	seq.s32 s5, $0x0;
	s5 =	sld [smem:$0x3FB4]  }
0x2b: {  	s6 =	sld [smem:$0x3FB5]  }
0x2c: {  	s7 =	sld [smem:$0x3FB6]  }
0x2d: {  	s3 =	simm.s32 $0x108;
	s8 =	sld [smem:$0x3FB7]  }
0x2e: {  	s3 =	simm.s32 @!p0 $0x1082;
	s9 =	sld [smem:$0x3FB8]  }
0x2f: {  	lr =	sadd.s32 s0, s3;
	s0 =	sld [smem:$0x3FAF]  }
0x30: {  	s3 =	sld [smem:$0x3FB2]  }
0x31: {  	[smem:$0x3FBB] =	sst s10  }
0x32: {  	s10 =	sld [smem:$0x3FB9];
	_ =	sdelay $0x3  }
0x33: {  	p0 =	seq.s32 s10, $0x1;
	s10 =	sld [smem:$0x3FBB];
	_ =	sdelay $0x3  }
0x34: {  	[smem:$0x3FBB] =	sst s10  }
0x35: {  	s10 =	sld [smem:$0x3FBA];
	_ =	sdelay $0x3  }
0x36: {  	p1 =	seq.s32 s10, $0x1;
	s10 =	sld [smem:$0x3FBB];
	_ =	sdelay $0x3  }
0x37: {  	[smem:$0x3FBB] =	sst s10  }
0x38: {  	s10 =	sld [smem:$0x3FBC]  }
0x39: {  	_ = 	snop;
	(pc) =	sbr.ind lr, $3  }
0x3a: {  	_ = 	snop  }
0x3b: {  	_ = 	snop  }
0x3c: {  	p2 =	seq.s32 s10, $0x1;
	s10 =	sld [smem:$0x3FBB]  }
0x3d: {  	_ =	shalt  }
0x3e: {  	_ =	shalt  }
0x3f: {  	_ =	shalt  }
0x40: {  	_ =	shalt  }
0x41: {  	_ =	shalt  }
0x42: {  	_ =	shalt  }
0x43: {  	_ =	shalt  }
0x44: {  	_ =	shalt  }
0x45: {  	_ =	shalt  }
0x46: {  	_ =	shalt  }
0x47: {  	_ =	shalt  }
0x48: {  	_ =	shalt  }
0x49: {  	_ =	shalt  }
0x4a: {  	_ =	shalt  }
0x4b: {  	_ =	shalt  }
0x4c: {  	_ =	shalt  }
0x4d: {  	_ =	shalt  }
0x4e: {  	_ =	shalt  }
0x4f: {  	_ =	shalt  }
0x50: {  	_ =	shalt  }
0x51: {  	_ =	shalt  }
0x52: {  	_ =	shalt  }
0x53: {  	_ =	shalt  }
0x54: {  	_ =	shalt  }
0x55: {  	_ =	shalt  }
0x56: {  	_ =	shalt  }
0x57: {  	_ =	shalt  }
0x58: {  	_ =	shalt  }
0x59: {  	_ =	shalt  }
0x5a: {  	_ =	shalt  }
0x5b: {  	_ =	shalt  }
0x5c: {  	_ =	shalt  }
0x5d: {  	_ =	shalt  }
0x5e: {  	_ =	shalt  }
0x5f: {  	_ =	shalt  }
0x60: {  	_ =	shalt  }
0x61: {  	_ =	shalt  }
0x62: {  	_ =	shalt  }
0x63: {  	_ =	shalt  }
0x64: {  	_ =	shalt  }
0x65: {  	_ =	shalt  }
0x66: {  	_ =	shalt  }
0x67: {  	_ =	shalt  }
0x68: {  	_ =	shalt  }
0x69: {  	_ =	shalt  }
0x6a: {  	_ =	shalt  }
0x6b: {  	_ =	shalt  }
0x6c: {  	_ =	shalt  }
0x6d: {  	_ =	shalt  }
0x6e: {  	_ =	shalt  }
0x6f: {  	_ =	shalt  }
0x70: {  	_ =	shalt  }
0x71: {  	_ =	shalt  }
0x72: {  	_ =	shalt  }
0x73: {  	_ =	shalt  }
0x74: {  	_ =	shalt  }
0x75: {  	_ =	shalt  }
0x76: {  	_ =	shalt  }
0x77: {  	_ =	shalt  }
0x78: {  	_ =	shalt  }
0x79: {  	_ =	shalt  }
0x7a: {  	_ =	shalt  }
0x7b: {  	_ =	shalt  }
0x7c: {  	_ =	shalt  }
0x7d: {  	_ =	shalt  }
0x7e: {  	_ =	shalt  }
0x7f: {  	_ =	shalt  }
0x80: {  	_ =	shalt  }
0x81: {  	_ =	shalt  }
0x82: {  	_ =	shalt  }
0x83: {  	_ =	shalt  }
0x84: {  	_ =	shalt  }
0x85: {  	_ =	shalt  }
0x86: {  	_ =	shalt  }
0x87: {  	_ =	shalt  }
.Lfunc_end0:
.L_simem_size_0:
called_computation_lowered:
.L_overlay_start_0:
0x88: {  	s2 =	sld [smem:$0x3FD9]  }
0x89: {  	s3 =	sld [smem:$0x3FFE];
	_ =	sdelay $0x1  }
0x8a: {  	s1 =	srdreg.scid  }
0x8b: {  	s0 =	sand.u32 $0x1, s1  }
0x8c: {  	s17 =	sshll.u32 s0, $0xA;
	s2 =	sadd.s32 s3, s2  }
0x8d: {  	s2 =	sadd.s32 s2, s17  }
0x8e: {  	[smem:$0x3FC7] =	sst s2  }
0x8f: {  	_ = 	snop  }
0x90: {  	s2 =	sld [smem:$0x3FD0];
	(tm) =	ssettm $0x1  }
0x91: {  	s18 =	sld [smem:$0x3FFB];
	_ =	sdelay $0x3  }
0x92: {  	_ =	strace s18  }
0x93: {  	s3 =	sld [smem:$0x3FFC];
	_ =	sdelay $0x3  }
0x94: {  	_ =	strace s3  }
0x95: {  	s3 =	sld [smem:$0x3FFD];
	_ =	sdelay $0x3  }
0x96: {  	_ =	strace s3  }
0x97: {  	_ =	strace $0x8FFFFFFF  }
0x98: {  	s19 =	sld [smem:$0x3FDB];
	_ =	sdelay $0x1  }
0x99: {  	s4 =	simm.s32 $_scs_section_size  }
0x9a: {  	s5 =	simm.s32 $_size__tile_overlayer_lowered;
	s6 =	simm.s32 $_tile_overlayer_lowered  }
0x9b: {  	s22 =	simm.s32 $0x1BFF;
	s21 =	sshll.u32 s6, $0x1;
	s3 =	sadd.s32 s4, s19  }
0x9c: {  	s7 =	simm.s32 $0x0;
	s20 =	sshll.u32 s5, $0x1;
	s5 =	sadd.s32 s21, s3  }
0x9d: {  	[timem:s7], [sflag:s22] =	dma.local [hbm:s5], s20  }
0x9e: {  	_ =	swait.ge [sflag:s22], s20  }
0x9f: {  	s4 =	ssub.s32 $0x0, s20;
	[sflag:s22] =	ssyncset.done $0x0  }
0xa0: {  	[sflag:s22] =	ssyncadd.s32 s4;
	_ =	sdelay $0x1  }
0xa1: {  	s23 =	simm.s32 $0x1B8B  }
0xa2: {  	_ =	swait.ge [sflag:s23], $0x1  }
0xa3: {  	[sflag:s23] =	ssyncset.done $0x0  }
0xa4: {  	s25 =	simm.s32 $0x1B8E;
	s24 =	sld [smem:$0x3FFE];
	[sflag:s23] =	ssyncadd.s32 $0xFFFFFFFF  }
0xa5: {  	s26 =	simm.s32 $execute0_lowered;
	[smem:$0x3FD2] =	sst s25  }
0xa6: {  	s5 =	sshll.u32 s26, $0x1;
	_ =	strace $0x80000046;
	[dreg:$0x1] =	wrdreg $0xFFFFFFFF  }
0xa7: {  	s28 =	simm.s32 $_size_execute0_lowered;
	s3 =	sadd.s32 s3, s5;
	[dreg:$0x0] =	wrdreg $0x0  }
0xa8: {  	s5 =	sshll.u32 s28, $0x1;
	[dreg:$0x2] =	wrdreg s3  }
0xa9: {  	[dreg:$0x3] =	wrdreg s5  }
0xaa: {  	[dreg:$0x4] =	wrdreg $0xC0  }
0xab: {  	_ =	task [dreg:s7], $0x5FFFF  }
0xac: {  	[dreg:$0x1] =	wrdreg $0xFFFFFFFF  }
0xad: {  	[dreg:$0x0] =	wrdreg $0x60  }
0xae: {  	[dreg:$0x2] =	wrdreg s24  }
0xaf: {  	[dreg:$0x3] =	wrdreg s2  }
0xb0: {  	[dreg:$0x4] =	wrdreg $0x9  }
0xb1: {  	_ =	task.clear_ibuf [dreg:s7], $0x5FFFF;
	_ =	strace $0x90000046  }
0xb2: {  	s29 =	simm.s32 $0x9;
	_ =	strace $0x80000048  }
0xb3: {  	_ =	swait.ge [sflag:s29], $0x1  }
0xb4: {  	[sflag:s29] =	ssyncadd.s32 $0xFFFFFFFF  }
0xb5: {  	_ =	strace $0x90000048  }
0xb6: {  	_ =	sfence  }
0xb7: {  	s30 =	sld [smem:$0x0];
	_ =	sdelay $0x2  }
0xb8: {  	s31 =	sshll.u32 s1, $0xD;
	s1 =	sshrl.u32 s1, $0x2  }
0xb9: {  	s3 =	sand.u32 $0x4000, s31;
	s1 =	sadd.s32 s1, s30  }
0xba: {  	s0 =	sor.u32 s3, s0;
	s1 =	sshll.u32 s1, $0x11  }
0xbb: {  	s0 =	sor.u32 s1, s0  }
0xbc: {  	s0 =	sadd.s32 $0x8F2B, s0  }
0xbd: {  	[sflag:s0] =	ssyncadd.remote.s32 $0x1  }
0xbe: {  	_ =	sfence.sel $0xFFFF  }
0xbf: {  	[dreg:$0x0] =	wrdreg $0xFFFFFFFF;
	(pc) =	sbr.abs _section_cstart, $3  }
0xc0: {  	[dreg:$0x1] =	wrdreg $0xFFFFFFFF  }
0xc1: {  	_ =	task.clear_ibuf [dreg:s7], $0x2FFFF;
	_ =	strace $0x9FFFFFFF  }
0xc2: {  	(tm) =	ssettm $0x7FFFFFFF  }
0xc3: {  	_ =	shalt  }
tec
execute0_lowered:
.L_overlay_start_1:
0x0: {  	(tag) =	ssettag $0x1  }
0x1: {  	s4 =	stileid.u32  }
0x2: {  	s0 =	srdreg.scid;
	s1 =	sshll.u32 s4, $0x1  }
0x3: {  	s0 =	sand.u32 $0x1, s0;
	s7 =	sshrl.u32 s4, $0x2;
	s1 =	sand.u32 $0x6, s1  }
0x4: {  	s9 =	smul.u32 $0xE1000, s7;
	s1 =	sor.u32 s0, s1  }
0x5: {  	s15 =	smul.u32 $0x3840, s1;
	_ =	sdelay $0x1  }
0x6: {  	s1 =	sadd.s32 s9, s15  }
0x7: {  	s2 =	rddreg [dreg:$0x0];
	s1 =	sshrl.u32 s1, $0x3  }
0x8: {  	s3 =	rddreg [dreg:$0x1];
	s4 =	simm.s32 $0x0;
	s1 =	sadd.s32 s1, s2  }
0x9: {  	[smem:$0x7FF] =	sst s4;
	s10 =	sadd.s32 $0xC4000, s1  }
0xa: {  	_ =	strace $0x80000047;
	s11 =	sadd.s32 $0xC7840, s1;
	[dreg:$0x3] =	wrdreg s10  }
0xb: {  	s12 =	sadd.s32 $0xCB080, s1;
	[dreg:$0x4] =	wrdreg s11  }
0xc: {  	s13 =	sadd.s32 $0xCE8C0, s1;
	[dreg:$0x5] =	wrdreg s12  }
0xd: {  	s14 =	sadd.s32 $0xD2100, s1;
	[dreg:$0x6] =	wrdreg s13  }
0xe: {  	s31 =	simm.s32 $0x7400;
	s16 =	sadd.s32 $0xD5940, s1;
	[dreg:$0x7] =	wrdreg s14  }
0xf: {  	s5 =	sadd.s32 $0x62000, s2;
	s17 =	sadd.s32 $0xD9180, s1;
	[dreg:$0x8] =	wrdreg s16  }
0x10: {  	s6 =	sadd.s32 $0x49800, s2;
	s18 =	sadd.s32 $0xDC9C0, s1;
	[dreg:$0x9] =	wrdreg s17  }
0x11: {  	s28 =	sadd.s32 $0x93000, s2;
	s19 =	sadd.s32 $0xC4388, s1;
	[dreg:$0xa] =	wrdreg s18  }
0x12: {  	s29 =	sadd.s32 $0xAB800, s2;
	s20 =	sadd.s32 $0xC7BC8, s1;
	[dreg:$0xb] =	wrdreg s19  }
0x13: {  	s30 =	sadd.s32 $0x18800, s2;
	s22 =	sadd.s32 $0xCB408, s1;
	[dreg:$0xc] =	wrdreg s20  }
0x14: {  	s21 =	smul.u32 $0x30D40, s7;
	s23 =	sadd.s32 $0xCEC48, s1;
	[dreg:$0xd] =	wrdreg s22  }
0x15: {  	s0 =	ssub.s32 $0x2, s0;
	s24 =	sadd.s32 $0xD2488, s1;
	[dreg:$0xe] =	wrdreg s23  }
0x16: {  	s8 =	sshrl.u32 s0, $0x1;
	s25 =	sadd.s32 $0xD5CC8, s1;
	[dreg:$0xf] =	wrdreg s24  }
0x17: {  	s0 =	ssub.s32 s0, s8;
	s26 =	sadd.s32 $0xD9508, s1;
	[dreg:$0x10] =	wrdreg s25  }
0x18: {  	s8 =	simm.s32 $0x1;
	s1 =	sadd.s32 $0xDCD48, s1;
	[dreg:$0x11] =	wrdreg s26  }
0x19: {  	s9 =	simm.s32 $0x8400;
	v0 =	vmov s15;
	s15 =	simm.s32 $0x12D80;
	[dreg:$0x12] =	wrdreg s1  }
0x1a: {  	s24 =	smax.u32 s0, $0x1;
	s25 =	sadd.s32 $0x31000, s2;
	s26 =	sadd.s32 $0x7A800, s2  }
0x1b: {  	s1 =	simm.s32 $0x2;
	s0 =	simm.s32 $0x40;
	s10 =	simm.s32 $0xA040  }
0x1c: {  	s11 =	simm.s32 $0xBC80;
	s12 =	simm.s32 $0xD8C0;
	s13 =	simm.s32 $0xF500  }
0x1d: {  	v1 =	vlaneseq.u32;
	s14 =	simm.s32 $0x11140;
	s16 =	simm.s32 $0x149C0;
	s17 =	simm.s32 $0x0  }
.LBB2_1:
0x1e: {  	v2 =	vor.u32 s4, v1;
	s7 =	sand.u32 $0x1FE00, s4  }
0x1f: {  	s18 =	sand.u32 $0x30, s4;
	v2 =	vand.u32 $0x7FF, v2;
	s19 =	sshrl.u32 s7, $0x2  }
0x20: {  	s7 =	simm.s32 $0x80;
	v2 =	vadd.s32 $0xC3500, v2;
	s20 =	sor.u32 s18, s19;
	s19 =	simm.s32 $0x0  }
.LBB2_2:
0x21: {  	p0 =	sne.s32 s7, $0x1C180  }
0x22: {  	[tilespmem:s20+$0x0] =	vst v2;
	s19 =	sadd.s32 $0x10, s19;
	s18 =	smov.u32 s7;
	s7 =	sadd.s32 $0x80, s7  }
.Ltmp0:
0x23: {  	(pc) =	sbr.rel @p0 .LBB2_2-.Ltmp0, $4  }
0x24: {  	_ = 	snop  }
0x25: {  	v2 =	vor.u32 s19, v1;
	s18 =	sand.u32 $0x1FE00, s18  }
0x26: {  	s20 =	sand.u32 $0x30, s19;
	v2 =	vand.u32 $0x7FF, v2;
	s18 =	sshrl.u32 s18, $0x2  }
0x27: {  	v2 =	vadd.s32 $0xC3500, v2;
	s20 =	sor.u32 s20, s18;
	s18 =	simm.s32 $0x0  }
0x28: {  	[tilespmem:s20+$0x0] =	vst v2;
	s19 =	smov.u32 s21;
	s20 =	simm.s32 $0x0  }
.LBB2_4:
0x29: {  	s7 =	smul.u32 $0xFA0, s20;
	_ =	sdelay $0x1  }
0x2a: {  	s7 =	sadd.s32 s21, s7  }
0x2b: {  	s7 =	sshrl.u32 s7, $0x3  }
0x2c: {  	s7 =	sadd.s32 s5, s7  }
0x2d: {  	[tilespmem:s31], [sflag:$0x2] =	stream.linear.gather [hbm4b:s7+s18], $0xFA0, $0x38;
	[tilespmem:$0x16600] =	vst v63  }
0x2e: {  	_ =	swait.ge [sflag:s1], $0xFA0  }
0x2f: {  	[sflag:s1] =	ssyncset.done $0x0  }
0x30: {  	s23 =	simm.s32 $0x0;
	[sflag:s1] =	ssyncadd.s32 $0xFFFFF060  }
0x31: {  	v2 =	vld [tilespmem:s23+$0x7400];
	_ =	sdelay $0x4  }
0x32: {  	v3 =	vsub.s32 v2, v0  }
0x33: {  	vm0 =	vlt.u32 v3, $0x3840  }
0x34: {  	(xrf1) =	vunique.msk.u32 vm0, v3;
	_ =	sdelay $0xd  }
0x35: {  	v3 =	vshll.u32 v3, $0x1;
	_, v4, vm1 =	vpop (xrf1)  }
0x36: {  	v2 =	vand.u32 $0x3F, v2;
	v3 =	vand.u32 $0xFFFFFF80, v3;
	vm0 =	vmand vm0, vm1  }
0x37: {  	v2 =	vor.u32 v2, v3;
	_ =	sdelay $0x3  }
0x38: {  	v3 =	vor.u32 s19, v1  }
0x39: {  	s22 =	simm.s32 $0x80;
	s7 =	smov.u32 s19;
	s23 =	simm.s32 $0x10;
	[tilespmem:v2+s4+$0x0] =	vst.idx.msk vm0, v3  }
.LBB2_5:
0x3a: {  	p0 =	sne.s32 s22, $0x3E40;
	v2 =	vld [tilespmem:s23+$0x7400];
	_ =	sdelay $0x4  }
0x3b: {  	v3 =	vsub.s32 v2, v0  }
0x3c: {  	vm0 =	vlt.u32 v3, $0x3840  }
0x3d: {  	(xrf1) =	vunique.msk.u32 vm0, v3;
	_ =	sdelay $0xd  }
0x3e: {  	v3 =	vshll.u32 v3, $0x1;
	_, v4, vm1 =	vpop (xrf1)  }
0x3f: {  	v2 =	vand.u32 $0x3F, v2;
	v3 =	vand.u32 $0xFFFFFF80, v3;
	vm0 =	vmand vm0, vm1  }
0x40: {  	v2 =	vor.u32 v2, v3  }
.Ltmp1:
0x41: {  	(pc) =	sbr.rel @p0 .LBB2_5-.Ltmp1, $4  }
0x42: {  	_ = 	snop  }
0x43: {  	s7 =	sadd.s32 $0x10, s7  }
0x44: {  	v3 =	vor.u32 s7, v1  }
0x45: {  	s23 =	sshra.s32 s22, $0x2;
	s22 =	sadd.s32 $0x40, s22;
	[tilespmem:v2+s4+$0x0] =	vst.idx.msk vm0, v3  }
0x46: {  	v2 =	vld [tilespmem:s23+$0x7400];
	_ =	sdelay $0x4  }
0x47: {  	v3 =	vsub.s32 v2, v0  }
0x48: {  	vm0 =	vlt.u32 v3, $0x3840  }
0x49: {  	(xrf1) =	vunique.msk.u32 vm0, v3;
	_ =	sdelay $0xd  }
0x4a: {  	v3 =	vshll.u32 v3, $0x1;
	_, v4, vm1 =	vpop (xrf1)  }
0x4b: {  	s20 =	sadd.s32 $0x1, s20;
	v2 =	vand.u32 $0x3F, v2;
	v3 =	vand.u32 $0xFFFFFF80, v3;
	vm0 =	vmand vm0, vm1  }
0x4c: {  	p0 =	sne.s32 s20, $0x32;
	v2 =	vor.u32 v2, v3  }
.Ltmp2:
0x4d: {  	_ = 	snop;
	(pc) =	sbr.rel @p0 .LBB2_4-.Ltmp2, $4  }
0x4e: {  	_ = 	snop  }
0x4f: {  	s7 =	sadd.s32 $0x10, s7  }
0x50: {  	v3 =	vor.u32 s7, v1  }
0x51: {  	s19 =	sadd.s32 $0xFA0, s19;
	s22 =	simm.s32 $0x0;
	[tilespmem:v2+s4+$0x0] =	vst.idx.msk vm0, v3  }
0x52: {  	s7 =	sshra.s32 s22, $0x2  }
0x53: {  	s7 =	sadd.s32 $0x8400, s7  }
0x54: {  	[tilespmem:s7], [sflag:$0x1] =	stream.indirect.gather [hbm4b:s3+s0], $0x1, s22, s0, $0xb8;
	[tilespmem:$0x16600] =	vst v63  }
0x55: {  	s18 =	simm.s32 $0x0;
	s7 =	sadd.s32 $0x100, s22  }
.LBB2_8:
0x56: {  	p0 =	sne.s32 s7, $0x7000  }
.Ltmp3:
0x57: {  	_ = 	snop;
	(pc) =	sbr.rel @p0 .LBB2_8-.Ltmp3, $4  }
0x58: {  	_ = 	snop  }
0x59: {  	s19 =	sshra.s32 s7, $0x2;
	s7 =	sadd.s32 $0x100, s7  }
0x5a: {  	s18 =	sadd.s32 $0x80, s18;
	s19 =	sadd.s32 $0x8400, s19  }
0x5b: {  	[tilespmem:s19], [sflag:$0x1] =	stream.indirect.gather [hbm4b:s3+s0], $0x1, s18, s0, $0xb8;
	[tilespmem:$0x16600] =	vst v63  }
0x5c: {  	s7 =	simm.s32 $0xA040;
	s18 =	simm.s32 $0x100  }
0x5d: {  	[tilespmem:s7], [sflag:$0x1] =	stream.indirect.gather [hbm4b:s6+s0], $0x1, s22, s0, $0xb8;
	[tilespmem:$0x16600] =	vst v63  }
.LBB2_10:
0x5e: {  	p0 =	sne.s32 s18, $0x7000  }
.Ltmp4:
0x5f: {  	_ = 	snop;
	(pc) =	sbr.rel @p0 .LBB2_10-.Ltmp4, $4  }
0x60: {  	_ = 	snop  }
0x61: {  	s7 =	sshra.s32 s18, $0x2;
	s18 =	sadd.s32 $0x100, s18  }
0x62: {  	s22 =	sadd.s32 $0x80, s22;
	s19 =	sadd.s32 $0xA040, s7;
	s7 =	simm.s32 $0x0  }
0x63: {  	[tilespmem:s19], [sflag:$0x1] =	stream.indirect.gather [hbm4b:s6+s0], $0x1, s22, s0, $0xb8;
	[tilespmem:$0x16600] =	vst v63  }
0x64: {  	s18 =	simm.s32 $0xBC80  }
0x65: {  	[tilespmem:s18], [sflag:$0x1] =	stream.indirect.gather [hbm4b:s25+s0], $0x1, s7, s0, $0xb8;
	[tilespmem:$0x16600] =	vst v63  }
0x66: {  	s19 =	simm.s32 $0x0;
	s18 =	simm.s32 $0x100  }
.LBB2_12:
0x67: {  	p0 =	sne.s32 s18, $0x7000  }
.Ltmp5:
0x68: {  	_ = 	snop;
	(pc) =	sbr.rel @p0 .LBB2_12-.Ltmp5, $4  }
0x69: {  	_ = 	snop  }
0x6a: {  	s20 =	sshra.s32 s18, $0x2;
	s18 =	sadd.s32 $0x100, s18  }
0x6b: {  	s19 =	sadd.s32 $0x80, s19;
	s20 =	sadd.s32 $0xBC80, s20  }
0x6c: {  	[tilespmem:s20], [sflag:$0x1] =	stream.indirect.gather [hbm4b:s25+s0], $0x1, s19, s0, $0xb8;
	[tilespmem:$0x16600] =	vst v63  }
0x6d: {  	s18 =	simm.s32 $0xD8C0;
	s19 =	simm.s32 $0x100  }
0x6e: {  	[tilespmem:s18], [sflag:$0x1] =	stream.indirect.gather [hbm4b:s26+s0], $0x1, s7, s0, $0xb8;
	[tilespmem:$0x16600] =	vst v63  }
.LBB2_14:
0x6f: {  	p0 =	sne.s32 s19, $0x7000  }
.Ltmp6:
0x70: {  	_ = 	snop;
	(pc) =	sbr.rel @p0 .LBB2_14-.Ltmp6, $4  }
0x71: {  	_ = 	snop  }
0x72: {  	s18 =	sshra.s32 s19, $0x2;
	s19 =	sadd.s32 $0x100, s19  }
0x73: {  	s7 =	sadd.s32 $0x80, s7;
	s20 =	sadd.s32 $0xD8C0, s18;
	s18 =	simm.s32 $0x0  }
0x74: {  	[tilespmem:s20], [sflag:$0x1] =	stream.indirect.gather [hbm4b:s26+s0], $0x1, s7, s0, $0xb8;
	[tilespmem:$0x16600] =	vst v63  }
0x75: {  	s7 =	simm.s32 $0xF500  }
0x76: {  	[tilespmem:s7], [sflag:$0x1] =	stream.indirect.gather [hbm4b:s28+s0], $0x1, s18, s0, $0xb8;
	[tilespmem:$0x16600] =	vst v63  }
0x77: {  	s19 =	simm.s32 $0x0;
	s7 =	simm.s32 $0x100  }
.LBB2_16:
0x78: {  	p0 =	sne.s32 s7, $0x7000  }
.Ltmp7:
0x79: {  	_ = 	snop;
	(pc) =	sbr.rel @p0 .LBB2_16-.Ltmp7, $4  }
0x7a: {  	_ = 	snop  }
0x7b: {  	s20 =	sshra.s32 s7, $0x2;
	s7 =	sadd.s32 $0x100, s7  }
0x7c: {  	s19 =	sadd.s32 $0x80, s19;
	s20 =	sadd.s32 $0xF500, s20  }
0x7d: {  	[tilespmem:s20], [sflag:$0x1] =	stream.indirect.gather [hbm4b:s28+s0], $0x1, s19, s0, $0xb8;
	[tilespmem:$0x16600] =	vst v63  }
0x7e: {  	s7 =	simm.s32 $0x11140;
	s19 =	simm.s32 $0x100  }
0x7f: {  	[tilespmem:s7], [sflag:$0x1] =	stream.indirect.gather [hbm4b:s29+s0], $0x1, s18, s0, $0xb8;
	[tilespmem:$0x16600] =	vst v63  }
.LBB2_18:
0x80: {  	p0 =	sne.s32 s19, $0x7000  }
.Ltmp8:
0x81: {  	_ = 	snop;
	(pc) =	sbr.rel @p0 .LBB2_18-.Ltmp8, $4  }
0x82: {  	_ = 	snop  }
0x83: {  	s7 =	sshra.s32 s19, $0x2;
	s19 =	sadd.s32 $0x100, s19  }
0x84: {  	s18 =	sadd.s32 $0x80, s18;
	s20 =	sadd.s32 $0x11140, s7;
	s7 =	simm.s32 $0x0  }
0x85: {  	[tilespmem:s20], [sflag:$0x1] =	stream.indirect.gather [hbm4b:s29+s0], $0x1, s18, s0, $0xb8;
	[tilespmem:$0x16600] =	vst v63  }
0x86: {  	s18 =	simm.s32 $0x12D80  }
0x87: {  	[tilespmem:s18], [sflag:$0x1] =	stream.indirect.gather [hbm4b:s30+s0], $0x1, s7, s0, $0xb8;
	[tilespmem:$0x16600] =	vst v63  }
0x88: {  	s19 =	simm.s32 $0x0;
	s18 =	simm.s32 $0x100  }
.LBB2_20:
0x89: {  	p0 =	sne.s32 s18, $0x7000  }
.Ltmp9:
0x8a: {  	_ = 	snop;
	(pc) =	sbr.rel @p0 .LBB2_20-.Ltmp9, $4  }
0x8b: {  	_ = 	snop  }
0x8c: {  	s20 =	sshra.s32 s18, $0x2;
	s18 =	sadd.s32 $0x100, s18  }
0x8d: {  	s19 =	sadd.s32 $0x80, s19;
	s20 =	sadd.s32 $0x12D80, s20  }
0x8e: {  	[tilespmem:s20], [sflag:$0x1] =	stream.indirect.gather [hbm4b:s30+s0], $0x1, s19, s0, $0xb8;
	[tilespmem:$0x16600] =	vst v63  }
0x8f: {  	s18 =	simm.s32 $0x149C0  }
0x90: {  	[tilespmem:s18], [sflag:$0x1] =	stream.indirect.gather [hbm4b:s2+s0], $0x1, s7, s0, $0xb8;
	[tilespmem:$0x16600] =	vst v63  }
0x91: {  	s18 =	simm.s32 $0x100  }
.LBB2_22:
0x92: {  	p0 =	sne.s32 s18, $0x7000  }
.Ltmp10:
0x93: {  	_ = 	snop;
	(pc) =	sbr.rel @p0 .LBB2_22-.Ltmp10, $4  }
0x94: {  	_ = 	snop  }
0x95: {  	s19 =	sshra.s32 s18, $0x2;
	s18 =	sadd.s32 $0x100, s18  }
0x96: {  	s7 =	sadd.s32 $0x80, s7;
	s19 =	sadd.s32 $0x149C0, s19  }
0x97: {  	[tilespmem:s19], [sflag:$0x1] =	stream.indirect.gather [hbm4b:s2+s0], $0x1, s7, s0, $0xb8;
	[tilespmem:$0x16600] =	vst v63  }
0x98: {  	_ =	swait.ge [sflag:s8], $0x1C40  }
0x99: {  	[sflag:s8] =	ssyncset.done $0x0  }
0x9a: {  	[sflag:s8] =	ssyncadd.s32 $0xFFFFE3C0  }
0x9b: {  	_ =	swait.ge [sflag:s8], $0x1C40  }
0x9c: {  	[sflag:s8] =	ssyncset.done $0x0  }
0x9d: {  	[sflag:s8] =	ssyncadd.s32 $0xFFFFE3C0  }
0x9e: {  	_ =	swait.ge [sflag:s8], $0x1C40  }
0x9f: {  	[sflag:s8] =	ssyncset.done $0x0  }
0xa0: {  	[sflag:s8] =	ssyncadd.s32 $0xFFFFE3C0  }
0xa1: {  	_ =	swait.ge [sflag:s8], $0x1C40  }
0xa2: {  	[sflag:s8] =	ssyncset.done $0x0  }
0xa3: {  	[sflag:s8] =	ssyncadd.s32 $0xFFFFE3C0  }
0xa4: {  	_ =	swait.ge [sflag:s8], $0x1C40  }
0xa5: {  	[sflag:s8] =	ssyncset.done $0x0  }
0xa6: {  	[sflag:s8] =	ssyncadd.s32 $0xFFFFE3C0  }
0xa7: {  	_ =	swait.ge [sflag:s8], $0x1C40  }
0xa8: {  	[sflag:s8] =	ssyncset.done $0x0  }
0xa9: {  	[sflag:s8] =	ssyncadd.s32 $0xFFFFE3C0  }
0xaa: {  	_ =	swait.ge [sflag:s8], $0x1C40  }
0xab: {  	[sflag:s8] =	ssyncset.done $0x0  }
0xac: {  	[sflag:s8] =	ssyncadd.s32 $0xFFFFE3C0  }
0xad: {  	_ =	swait.ge [sflag:s8], $0x1C40  }
0xae: {  	[sflag:s8] =	ssyncset.done $0x0  }
0xaf: {  	s7 =	simm.s32 $0x0;
	s18 =	rddreg [dreg:$0x3];
	[sflag:s8] =	ssyncadd.s32 $0xFFFFE3C0  }
0xb0: {  	[hbm4b:s18+s7] =	stream.linear.scatter [tilespmem:s9], [sflag:$0x2], $0x1C40, $0x38;
	[tilespmem:$0x16600] =	vst v63  }
0xb1: {  	_ =	swait.ge [sflag:s1], $0x1C40  }
0xb2: {  	[sflag:s1] =	ssyncset.done $0x0  }
0xb3: {  	s19 =	rddreg [dreg:$0x4];
	[sflag:s1] =	ssyncadd.s32 $0xFFFFE3C0  }
0xb4: {  	[hbm4b:s19+s7] =	stream.linear.scatter [tilespmem:s10], [sflag:$0x2], $0x1C40, $0x38;
	[tilespmem:$0x16600] =	vst v63  }
0xb5: {  	_ =	swait.ge [sflag:s1], $0x1C40  }
0xb6: {  	[sflag:s1] =	ssyncset.done $0x0  }
0xb7: {  	s20 =	rddreg [dreg:$0x5];
	[sflag:s1] =	ssyncadd.s32 $0xFFFFE3C0  }
0xb8: {  	[hbm4b:s20+s7] =	stream.linear.scatter [tilespmem:s11], [sflag:$0x2], $0x1C40, $0x38;
	[tilespmem:$0x16600] =	vst v63  }
0xb9: {  	_ =	swait.ge [sflag:s1], $0x1C40  }
0xba: {  	[sflag:s1] =	ssyncset.done $0x0  }
0xbb: {  	s22 =	rddreg [dreg:$0x6];
	[sflag:s1] =	ssyncadd.s32 $0xFFFFE3C0  }
0xbc: {  	[hbm4b:s22+s7] =	stream.linear.scatter [tilespmem:s12], [sflag:$0x2], $0x1C40, $0x38;
	[tilespmem:$0x16600] =	vst v63  }
0xbd: {  	_ =	swait.ge [sflag:s1], $0x1C40  }
0xbe: {  	[sflag:s1] =	ssyncset.done $0x0  }
0xbf: {  	s23 =	rddreg [dreg:$0x7];
	[sflag:s1] =	ssyncadd.s32 $0xFFFFE3C0  }
0xc0: {  	[hbm4b:s23+s7] =	stream.linear.scatter [tilespmem:s13], [sflag:$0x2], $0x1C40, $0x38;
	[tilespmem:$0x16600] =	vst v63  }
0xc1: {  	_ =	swait.ge [sflag:s1], $0x1C40  }
0xc2: {  	[sflag:s1] =	ssyncset.done $0x0  }
0xc3: {  	s19 =	rddreg [dreg:$0x8];
	[sflag:s1] =	ssyncadd.s32 $0xFFFFE3C0  }
0xc4: {  	[hbm4b:s19+s7] =	stream.linear.scatter [tilespmem:s14], [sflag:$0x2], $0x1C40, $0x38;
	[tilespmem:$0x16600] =	vst v63  }
0xc5: {  	_ =	swait.ge [sflag:s1], $0x1C40  }
0xc6: {  	[sflag:s1] =	ssyncset.done $0x0  }
0xc7: {  	s20 =	rddreg [dreg:$0x9];
	[sflag:s1] =	ssyncadd.s32 $0xFFFFE3C0  }
0xc8: {  	[hbm4b:s20+s7] =	stream.linear.scatter [tilespmem:s15], [sflag:$0x2], $0x1C40, $0x38;
	[tilespmem:$0x16600] =	vst v63  }
0xc9: {  	_ =	swait.ge [sflag:s1], $0x1C40  }
0xca: {  	[sflag:s1] =	ssyncset.done $0x0  }
0xcb: {  	s22 =	rddreg [dreg:$0xa];
	[sflag:s1] =	ssyncadd.s32 $0xFFFFE3C0  }
0xcc: {  	[hbm4b:s22+s7] =	stream.linear.scatter [tilespmem:s16], [sflag:$0x2], $0x1C40, $0x38;
	[tilespmem:$0x16600] =	vst v63  }
0xcd: {  	_ =	swait.ge [sflag:s1], $0x1C40  }
0xce: {  	s18 =	simm.s32 $0x3880;
	s23 =	simm.s32 $0x8400;
	[sflag:s1] =	ssyncset.done $0x0  }
0xcf: {  	s19 =	simm.s32 $0x3880;
	s7 =	simm.s32 $0x100;
	[sflag:s1] =	ssyncadd.s32 $0xFFFFE3C0  }
0xd0: {  	[tilespmem:s23], [sflag:$0x1] =	stream.indirect.gather [hbm4b:s3+s0], $0x1, s18, s0, $0xb8;
	[tilespmem:$0x16600] =	vst v63  }
.LBB2_24:
0xd1: {  	p0 =	sne.s32 s7, $0x6F00  }
.Ltmp11:
0xd2: {  	_ = 	snop;
	(pc) =	sbr.rel @p0 .LBB2_24-.Ltmp11, $4  }
0xd3: {  	_ = 	snop  }
0xd4: {  	s20 =	sshra.s32 s7, $0x2;
	s7 =	sadd.s32 $0x100, s7  }
0xd5: {  	s19 =	sadd.s32 $0x80, s19;
	s20 =	sadd.s32 $0x8400, s20  }
0xd6: {  	[tilespmem:s20], [sflag:$0x1] =	stream.indirect.gather [hbm4b:s3+s0], $0x1, s19, s0, $0xb8;
	[tilespmem:$0x16600] =	vst v63  }
0xd7: {  	s7 =	simm.s32 $0xA040;
	s19 =	simm.s32 $0x100  }
0xd8: {  	[tilespmem:s7], [sflag:$0x1] =	stream.indirect.gather [hbm4b:s6+s0], $0x1, s18, s0, $0xb8;
	[tilespmem:$0x16600] =	vst v63  }
.LBB2_26:
0xd9: {  	p0 =	sne.s32 s19, $0x6F00  }
.Ltmp12:
0xda: {  	_ = 	snop;
	(pc) =	sbr.rel @p0 .LBB2_26-.Ltmp12, $4  }
0xdb: {  	_ = 	snop  }
0xdc: {  	s7 =	simm.s32 $0x3880;
	s20 =	sshra.s32 s19, $0x2  }
0xdd: {  	s19 =	sadd.s32 $0x100, s19;
	s18 =	sadd.s32 $0x80, s18;
	s20 =	sadd.s32 $0xA040, s20  }
0xde: {  	[tilespmem:s20], [sflag:$0x1] =	stream.indirect.gather [hbm4b:s6+s0], $0x1, s18, s0, $0xb8;
	[tilespmem:$0x16600] =	vst v63  }
0xdf: {  	s18 =	simm.s32 $0xBC80  }
0xe0: {  	[tilespmem:s18], [sflag:$0x1] =	stream.indirect.gather [hbm4b:s25+s0], $0x1, s7, s0, $0xb8;
	[tilespmem:$0x16600] =	vst v63  }
0xe1: {  	s19 =	simm.s32 $0x3880;
	s18 =	simm.s32 $0x100  }
.LBB2_28:
0xe2: {  	p0 =	sne.s32 s18, $0x6F00  }
.Ltmp13:
0xe3: {  	_ = 	snop;
	(pc) =	sbr.rel @p0 .LBB2_28-.Ltmp13, $4  }
0xe4: {  	_ = 	snop  }
0xe5: {  	s20 =	sshra.s32 s18, $0x2;
	s18 =	sadd.s32 $0x100, s18  }
0xe6: {  	s19 =	sadd.s32 $0x80, s19;
	s20 =	sadd.s32 $0xBC80, s20  }
0xe7: {  	[tilespmem:s20], [sflag:$0x1] =	stream.indirect.gather [hbm4b:s25+s0], $0x1, s19, s0, $0xb8;
	[tilespmem:$0x16600] =	vst v63  }
0xe8: {  	s18 =	simm.s32 $0xD8C0;
	s19 =	simm.s32 $0x100  }
0xe9: {  	[tilespmem:s18], [sflag:$0x1] =	stream.indirect.gather [hbm4b:s26+s0], $0x1, s7, s0, $0xb8;
	[tilespmem:$0x16600] =	vst v63  }
.LBB2_30:
0xea: {  	p0 =	sne.s32 s19, $0x6F00  }
.Ltmp14:
0xeb: {  	_ = 	snop;
	(pc) =	sbr.rel @p0 .LBB2_30-.Ltmp14, $4  }
0xec: {  	_ = 	snop  }
0xed: {  	s18 =	simm.s32 $0x3880;
	s20 =	sshra.s32 s19, $0x2  }
0xee: {  	s19 =	sadd.s32 $0x100, s19;
	s7 =	sadd.s32 $0x80, s7;
	s20 =	sadd.s32 $0xD8C0, s20  }
0xef: {  	[tilespmem:s20], [sflag:$0x1] =	stream.indirect.gather [hbm4b:s26+s0], $0x1, s7, s0, $0xb8;
	[tilespmem:$0x16600] =	vst v63  }
0xf0: {  	s7 =	simm.s32 $0xF500  }
0xf1: {  	[tilespmem:s7], [sflag:$0x1] =	stream.indirect.gather [hbm4b:s28+s0], $0x1, s18, s0, $0xb8;
	[tilespmem:$0x16600] =	vst v63  }
0xf2: {  	s19 =	simm.s32 $0x3880;
	s7 =	simm.s32 $0x100  }
.LBB2_32:
0xf3: {  	p0 =	sne.s32 s7, $0x6F00  }
.Ltmp15:
0xf4: {  	_ = 	snop;
	(pc) =	sbr.rel @p0 .LBB2_32-.Ltmp15, $4  }
0xf5: {  	_ = 	snop  }
0xf6: {  	s20 =	sshra.s32 s7, $0x2;
	s7 =	sadd.s32 $0x100, s7  }
0xf7: {  	s19 =	sadd.s32 $0x80, s19;
	s20 =	sadd.s32 $0xF500, s20  }
0xf8: {  	[tilespmem:s20], [sflag:$0x1] =	stream.indirect.gather [hbm4b:s28+s0], $0x1, s19, s0, $0xb8;
	[tilespmem:$0x16600] =	vst v63  }
0xf9: {  	s7 =	simm.s32 $0x11140;
	s19 =	simm.s32 $0x100  }
0xfa: {  	[tilespmem:s7], [sflag:$0x1] =	stream.indirect.gather [hbm4b:s29+s0], $0x1, s18, s0, $0xb8;
	[tilespmem:$0x16600] =	vst v63  }
.LBB2_34:
0xfb: {  	p0 =	sne.s32 s19, $0x6F00  }
.Ltmp16:
0xfc: {  	_ = 	snop;
	(pc) =	sbr.rel @p0 .LBB2_34-.Ltmp16, $4  }
0xfd: {  	_ = 	snop  }
0xfe: {  	s7 =	simm.s32 $0x3880;
	s20 =	sshra.s32 s19, $0x2  }
0xff: {  	s19 =	sadd.s32 $0x100, s19;
	s18 =	sadd.s32 $0x80, s18;
	s20 =	sadd.s32 $0x11140, s20  }
0x100: {  	[tilespmem:s20], [sflag:$0x1] =	stream.indirect.gather [hbm4b:s29+s0], $0x1, s18, s0, $0xb8;
	[tilespmem:$0x16600] =	vst v63  }
0x101: {  	s18 =	simm.s32 $0x12D80  }
0x102: {  	[tilespmem:s18], [sflag:$0x1] =	stream.indirect.gather [hbm4b:s30+s0], $0x1, s7, s0, $0xb8;
	[tilespmem:$0x16600] =	vst v63  }
0x103: {  	s19 =	simm.s32 $0x3880;
	s18 =	simm.s32 $0x100  }
.LBB2_36:
0x104: {  	p0 =	sne.s32 s18, $0x6F00  }
.Ltmp17:
0x105: {  	_ = 	snop;
	(pc) =	sbr.rel @p0 .LBB2_36-.Ltmp17, $4  }
0x106: {  	_ = 	snop  }
0x107: {  	s20 =	sshra.s32 s18, $0x2;
	s18 =	sadd.s32 $0x100, s18  }
0x108: {  	s19 =	sadd.s32 $0x80, s19;
	s20 =	sadd.s32 $0x12D80, s20  }
0x109: {  	[tilespmem:s20], [sflag:$0x1] =	stream.indirect.gather [hbm4b:s30+s0], $0x1, s19, s0, $0xb8;
	[tilespmem:$0x16600] =	vst v63  }
0x10a: {  	s18 =	simm.s32 $0x149C0  }
0x10b: {  	[tilespmem:s18], [sflag:$0x1] =	stream.indirect.gather [hbm4b:s2+s0], $0x1, s7, s0, $0xb8;
	[tilespmem:$0x16600] =	vst v63  }
0x10c: {  	s18 =	simm.s32 $0x100  }
.LBB2_38:
0x10d: {  	p0 =	sne.s32 s18, $0x6F00  }
.Ltmp18:
0x10e: {  	_ = 	snop;
	(pc) =	sbr.rel @p0 .LBB2_38-.Ltmp18, $4  }
0x10f: {  	_ = 	snop  }
0x110: {  	s19 =	sshra.s32 s18, $0x2;
	s18 =	sadd.s32 $0x100, s18  }
0x111: {  	s7 =	sadd.s32 $0x80, s7;
	s19 =	sadd.s32 $0x149C0, s19  }
0x112: {  	[tilespmem:s19], [sflag:$0x1] =	stream.indirect.gather [hbm4b:s2+s0], $0x1, s7, s0, $0xb8;
	[tilespmem:$0x16600] =	vst v63  }
0x113: {  	_ =	swait.ge [sflag:s8], $0x1C00  }
0x114: {  	[sflag:s8] =	ssyncset.done $0x0  }
0x115: {  	[sflag:s8] =	ssyncadd.s32 $0xFFFFE400  }
0x116: {  	_ =	swait.ge [sflag:s8], $0x1C00  }
0x117: {  	[sflag:s8] =	ssyncset.done $0x0  }
0x118: {  	[sflag:s8] =	ssyncadd.s32 $0xFFFFE400  }
0x119: {  	_ =	swait.ge [sflag:s8], $0x1C00  }
0x11a: {  	[sflag:s8] =	ssyncset.done $0x0  }
0x11b: {  	[sflag:s8] =	ssyncadd.s32 $0xFFFFE400  }
0x11c: {  	_ =	swait.ge [sflag:s8], $0x1C00  }
0x11d: {  	[sflag:s8] =	ssyncset.done $0x0  }
0x11e: {  	[sflag:s8] =	ssyncadd.s32 $0xFFFFE400  }
0x11f: {  	_ =	swait.ge [sflag:s8], $0x1C00  }
0x120: {  	[sflag:s8] =	ssyncset.done $0x0  }
0x121: {  	[sflag:s8] =	ssyncadd.s32 $0xFFFFE400  }
0x122: {  	_ =	swait.ge [sflag:s8], $0x1C00  }
0x123: {  	[sflag:s8] =	ssyncset.done $0x0  }
0x124: {  	[sflag:s8] =	ssyncadd.s32 $0xFFFFE400  }
0x125: {  	_ =	swait.ge [sflag:s8], $0x1C00  }
0x126: {  	[sflag:s8] =	ssyncset.done $0x0  }
0x127: {  	[sflag:s8] =	ssyncadd.s32 $0xFFFFE400  }
0x128: {  	_ =	swait.ge [sflag:s8], $0x1C00  }
0x129: {  	[sflag:s8] =	ssyncset.done $0x0  }
0x12a: {  	s7 =	rddreg [dreg:$0xb];
	[sflag:s8] =	ssyncadd.s32 $0xFFFFE400  }
0x12b: {  	[hbm4b:s7+s4] =	stream.linear.scatter [tilespmem:s9], [sflag:$0x2], $0x1C00, $0x38;
	[tilespmem:$0x16600] =	vst v63  }
0x12c: {  	_ =	swait.ge [sflag:s1], $0x1C00  }
0x12d: {  	[sflag:s1] =	ssyncset.done $0x0  }
0x12e: {  	s22 =	rddreg [dreg:$0xc];
	[sflag:s1] =	ssyncadd.s32 $0xFFFFE400  }
0x12f: {  	[hbm4b:s22+s4] =	stream.linear.scatter [tilespmem:s10], [sflag:$0x2], $0x1C00, $0x38;
	[tilespmem:$0x16600] =	vst v63  }
0x130: {  	_ =	swait.ge [sflag:s1], $0x1C00  }
0x131: {  	[sflag:s1] =	ssyncset.done $0x0  }
0x132: {  	s23 =	rddreg [dreg:$0xd];
	[sflag:s1] =	ssyncadd.s32 $0xFFFFE400  }
0x133: {  	[hbm4b:s23+s4] =	stream.linear.scatter [tilespmem:s11], [sflag:$0x2], $0x1C00, $0x38;
	[tilespmem:$0x16600] =	vst v63  }
0x134: {  	_ =	swait.ge [sflag:s1], $0x1C00  }
0x135: {  	[sflag:s1] =	ssyncset.done $0x0  }
0x136: {  	s18 =	rddreg [dreg:$0xe];
	[sflag:s1] =	ssyncadd.s32 $0xFFFFE400  }
0x137: {  	[hbm4b:s18+s4] =	stream.linear.scatter [tilespmem:s12], [sflag:$0x2], $0x1C00, $0x38;
	[tilespmem:$0x16600] =	vst v63  }
0x138: {  	_ =	swait.ge [sflag:s1], $0x1C00  }
0x139: {  	[sflag:s1] =	ssyncset.done $0x0  }
0x13a: {  	s19 =	rddreg [dreg:$0xf];
	[sflag:s1] =	ssyncadd.s32 $0xFFFFE400  }
0x13b: {  	[hbm4b:s19+s4] =	stream.linear.scatter [tilespmem:s13], [sflag:$0x2], $0x1C00, $0x38;
	[tilespmem:$0x16600] =	vst v63  }
0x13c: {  	_ =	swait.ge [sflag:s1], $0x1C00  }
0x13d: {  	[sflag:s1] =	ssyncset.done $0x0  }
0x13e: {  	s20 =	rddreg [dreg:$0x10];
	[sflag:s1] =	ssyncadd.s32 $0xFFFFE400  }
0x13f: {  	[hbm4b:s20+s4] =	stream.linear.scatter [tilespmem:s14], [sflag:$0x2], $0x1C00, $0x38;
	[tilespmem:$0x16600] =	vst v63  }
0x140: {  	_ =	swait.ge [sflag:s1], $0x1C00  }
0x141: {  	[sflag:s1] =	ssyncset.done $0x0  }
0x142: {  	s22 =	rddreg [dreg:$0x11];
	[sflag:s1] =	ssyncadd.s32 $0xFFFFE400  }
0x143: {  	[hbm4b:s22+s4] =	stream.linear.scatter [tilespmem:s15], [sflag:$0x2], $0x1C00, $0x38;
	[tilespmem:$0x16600] =	vst v63  }
0x144: {  	s17 =	sadd.s32 $0x1, s17;
	_ =	swait.ge [sflag:s1], $0x1C00  }
0x145: {  	p0 =	sne.s32 s17, s24;
	[sflag:s1] =	ssyncset.done $0x0  }
.Ltmp19:
0x146: {  	s23 =	rddreg [dreg:$0x12];
	[sflag:s1] =	ssyncadd.s32 $0xFFFFE400;
	(pc) =	sbr.rel @p0 .LBB2_1-.Ltmp19, $4  }
0x147: {  	[hbm4b:s23+s4] =	stream.linear.scatter [tilespmem:s16], [sflag:$0x2], $0x1C00, $0x38;
	[tilespmem:$0x16600] =	vst v63  }
0x148: {  	_ =	swait.ge [sflag:s1], $0x1C00  }
0x149: {  	[sflag:s1] =	ssyncset.done $0x0  }
0x14a: {  	[sflag:s1] =	ssyncadd.s32 $0xFFFFE400  }
0x14b: {  	_ =	sfence.sel $0x180000  }
0x14c: {  	[bflag:$0x0] =	sbarrier.arrive $0xFFFF  }
0x14d: {  	_ =	strace $0x90000047  }
0x14e: {  	s0 =	stileid.u32;
	[bflag:$0x2] =	sbarrier.arrive $0xFFFF  }
0x14f: {  	p0 =	sne.s32 s0, $0x0;
	s0 =	rddreg [dreg:$0x2]  }
0x150: {  	s0 =	sadd.s32 @!p0 $0x100000, s0  }
0x151: {  	[sflag:s0] =	ssyncadd.tile.s32 @!p0 $0x1;
	_ =	shalt  }
.Lfunc_end2:
_tile_overlayer_lowered:
.L_overlay_start_2:
0x152: {  	(tag) =	ssettag $0x2  }
0x153: {  	s0 =	rddreg [dreg:$0x0];
	s2 =	stileid.u32  }
0x154: {  	s1 =	rddreg [dreg:$0x1];
	p0 =	sne.s32 s2, $0x0  }
0x155: {  	s3 =	rddreg [dreg:$0x2];
	[bflag:$0x3] =	sbarrier.arrive $0xFFFF;
	s2 =	simm.s32 @!p0 $0x1C02  }
0x156: {  	[timem:s3], [sflag:s2] =	dma.local @!p0 [hbm:s0], s1  }
0x157: {  	s0 =	simm.s32 @!p0 $0x2  }
0x158: {  	_ =	swait.ge @!p0 [sflag:s0], s1  }
0x159: {  	s1 =	ssub.s32 @!p0 $0x0, s1;
	[sflag:s0] =	ssyncset.done @!p0 $0x0  }
0x15a: {  	[sflag:s0] =	ssyncadd.s32 @!p0 s1  }
0x15b: {  	[bflag:$0x3] =	sbarrier.arrive $0xFFFF  }
0x15c: {  	_ =	shalt  }

</sc_bundles>
